<compile_context>
chip_gen: v7x
topology: tpu7x:2x2x1
jax: 0.10.2.dev20260603
libtpu: 0.0.44.dev20260713+nightly
codegen_flags: <defaults>
</compile_context>

<pallas_src>
import functools

import jax
import jax.numpy as jnp
from jax import lax
from jax.experimental import pallas as pl
from jax.experimental.pallas import tpu as pltpu
from jax.experimental.pallas import tpu_sc as plsc

_N = 10000
_D = 128
_H = 128
_OUT = 192
_E = 320000

_NC = 2
_NS = 16
_NW = _NC * _NS
_EPT = _E // _NW
_CHUNK = 125
_CHUNKS = _EPT // _CHUNK
_HCH = _CHUNKS // 2
_STAGES = 2
_ZROWS = 400
_ZTASKS = _N // _ZROWS

def _seg_sum_body(x_hbm, src_hbm, dst_hbm, out_hbm,
                  acc, src_v, dst_v, rows_a, rows_b,
                  sem_a, sem_b, sem_sa, sem_sb):
    cid = lax.axis_index("c")
    sid = lax.axis_index("s")
    wid = cid * _NS + sid

    zv = jnp.zeros((16,), jnp.float32)

    def zfill(i, carry):
        rows_a[i // 8, pl.ds((i % 8) * 16, 16)] = zv
        return carry

    lax.fori_loop(0, _CHUNK * 8, zfill, 0)
    for z in range(5):
        pltpu.sync_copy(rows_a,
                        acc.at[pl.ds(sid * 625 + z * _CHUNK, _CHUNK)])

    plsc.subcore_barrier()

    for h in range(_STAGES):
        pltpu.sync_copy(src_hbm.at[wid, pl.ds(h * _HCH, _HCH)], src_v)
        pltpu.sync_copy(dst_hbm.at[wid, pl.ds(h * _HCH, _HCH)], dst_v)
        pltpu.async_copy(x_hbm.at[src_v.at[0]], rows_a, sem_a)
        pltpu.async_copy(x_hbm.at[src_v.at[1]], rows_b, sem_b)

        def body(i, carry):
            j = i * 2
            pltpu.make_async_copy(x_hbm.at[src_v.at[j]], rows_a, sem_a).wait()
            pltpu.async_copy(rows_a, acc.at[dst_v.at[j]], sem_sa, add=True)

            @pl.when(j + 2 < _HCH)
            def _():
                pltpu.make_async_copy(rows_a, acc.at[dst_v.at[j]],
                                      sem_sa).wait()
                pltpu.async_copy(x_hbm.at[src_v.at[j + 2]], rows_a, sem_a)

            pltpu.make_async_copy(x_hbm.at[src_v.at[j + 1]], rows_b,
                                  sem_b).wait()
            pltpu.async_copy(rows_b, acc.at[dst_v.at[j + 1]], sem_sb,
                             add=True)

            @pl.when(j + 3 < _HCH)
            def _():
                pltpu.make_async_copy(rows_b, acc.at[dst_v.at[j + 1]],
                                      sem_sb).wait()
                pltpu.async_copy(x_hbm.at[src_v.at[j + 3]], rows_b, sem_b)

            return carry

        lax.fori_loop(0, _HCH // 2, body, 0)
        pltpu.make_async_copy(rows_a, acc.at[dst_v.at[0]], sem_sa).wait()
        pltpu.make_async_copy(rows_b, acc.at[dst_v.at[0]], sem_sb).wait()

    plsc.subcore_barrier()

    pltpu.async_copy(acc.at[pl.ds(sid * _ZROWS, _ZROWS)],
                     out_hbm.at[cid, pl.ds(sid * _ZROWS, _ZROWS)], sem_a)

    @pl.when(sid < _ZTASKS - _NS)
    def _():
        pltpu.async_copy(acc.at[pl.ds((sid + _NS) * _ZROWS, _ZROWS)],
                         out_hbm.at[cid, pl.ds((sid + _NS) * _ZROWS, _ZROWS)],
                         sem_b)

    pltpu.make_async_copy(acc.at[pl.ds(sid * _ZROWS, _ZROWS)],
                          out_hbm.at[cid, pl.ds(sid * _ZROWS, _ZROWS)],
                          sem_a).wait()

    @pl.when(sid < _ZTASKS - _NS)
    def _():
        pltpu.make_async_copy(
            acc.at[pl.ds((sid + _NS) * _ZROWS, _ZROWS)],
            out_hbm.at[cid, pl.ds((sid + _NS) * _ZROWS, _ZROWS)],
            sem_b).wait()


@functools.cache
def _seg_sum():
    mesh = plsc.VectorSubcoreMesh(core_axis_name="c", subcore_axis_name="s",
                                  num_cores=_NC, num_subcores=_NS)
    return pl.kernel(
        _seg_sum_body,
        out_type=jax.ShapeDtypeStruct((_NC, _N, _D), jnp.float32),
        mesh=mesh,
        scratch_types=[
            pltpu.VMEM_SHARED((_N, _D), jnp.float32),
            pltpu.VMEM((_HCH, _CHUNK), jnp.int32),
            pltpu.VMEM((_HCH, _CHUNK), jnp.int32),
            pltpu.VMEM((_CHUNK, _D), jnp.float32),
            pltpu.VMEM((_CHUNK, _D), jnp.float32),
            pltpu.SemaphoreType.DMA,
            pltpu.SemaphoreType.DMA,
            pltpu.SemaphoreType.DMA,
            pltpu.SemaphoreType.DMA,
        ],
    )


_BLK = 1000


def _root_body(x_ref, w_ref, b_ref, o_ref):
    o_ref[...] = (
        jnp.dot(x_ref[...], w_ref[...], preferred_element_type=jnp.float32)
        + b_ref[...]
    )


def _mid_body(acc_ref, r_ref, wrel_ref, o_ref):
    agg = acc_ref[0] + acc_ref[1]
    o_ref[...] = jnp.maximum(
        jnp.dot(agg, wrel_ref[...], preferred_element_type=jnp.float32)
        + r_ref[...],
        0.0,
    )


def _head_body(acc_ref, r_ref, wrel_ref, w3_ref, b3_ref, o_ref):
    agg = acc_ref[0] + acc_ref[1]
    h2 = jnp.maximum(
        jnp.dot(agg, wrel_ref[...], preferred_element_type=jnp.float32)
        + r_ref[...],
        0.0,
    )
    o_ref[...] = (
        jnp.dot(h2, w3_ref[...], preferred_element_type=jnp.float32)
        + b3_ref[...]
    )


def _row_spec(i):
    return (i, 0)


def _rep_spec(i):
    return (0, 0)


def _root(x, w, b):
    return pl.pallas_call(
        _root_body,
        grid=(_N // _BLK,),
        in_specs=[
            pl.BlockSpec((_BLK, _H), _row_spec),
            pl.BlockSpec((_H, _H), _rep_spec),
            pl.BlockSpec((1, _H), _rep_spec),
        ],
        out_specs=pl.BlockSpec((_BLK, _H), _row_spec),
        out_shape=jax.ShapeDtypeStruct((_N, _H), jnp.float32),
    )(x, w, b)


def _acc_spec(i):
    return (0, i, 0)


def _mid(acc, r, wrel):
    return pl.pallas_call(
        _mid_body,
        grid=(_N // _BLK,),
        in_specs=[
            pl.BlockSpec((_NC, _BLK, _H), _acc_spec),
            pl.BlockSpec((_BLK, _H), _row_spec),
            pl.BlockSpec((_H, _H), _rep_spec),
        ],
        out_specs=pl.BlockSpec((_BLK, _H), _row_spec),
        out_shape=jax.ShapeDtypeStruct((_N, _H), jnp.float32),
    )(acc, r, wrel)


def _head(acc, r, wrel, w3, b3):
    return pl.pallas_call(
        _head_body,
        grid=(_N // _BLK,),
        in_specs=[
            pl.BlockSpec((_NC, _BLK, _H), _acc_spec),
            pl.BlockSpec((_BLK, _H), _row_spec),
            pl.BlockSpec((_H, _H), _rep_spec),
            pl.BlockSpec((_H, _OUT), _rep_spec),
            pl.BlockSpec((1, _OUT), _rep_spec),
        ],
        out_specs=pl.BlockSpec((_BLK, _OUT), _row_spec),
        out_shape=jax.ShapeDtypeStruct((_N, _OUT), jnp.float32),
    )(acc, r, wrel, w3, b3)


def kernel(x, edge_index, W1_rel, b1, W1_root, W2_rel, b2, W2_root, W3, b3):
    src = edge_index[0].reshape(_NW, _CHUNKS, _CHUNK)
    dst = edge_index[1].reshape(_NW, _CHUNKS, _CHUNK)
    seg = _seg_sum()
    r1 = _root(x, W1_root, b1.reshape(1, _H))
    acc1 = seg(x, src, dst)
    h1 = _mid(acc1, r1, W1_rel)
    r2 = _root(h1, W2_root, b2.reshape(1, _H))
    acc2 = seg(h1, src, dst)
    return _head(acc2, r2, W2_rel, W3, b3.reshape(1, _OUT))

# --- scband reference (transcript-rebuilt; emitter-appended) ---
"""Pipeline reference for scband-encoder-33775622815757 (READ-ONLY COPY).

The authoritative reference and input builder live on the scoring server;
editing this copy changes nothing except your own understanding.
"""

import jax, jax.numpy as jnp
import numpy as np

N = 10000
E = 320000
D = 128
H = 128
OUT = 192  # n_outputs * 3 = 64 * 3


def setup_inputs(seed: int = 0) -> dict:
    key = jax.random.key(seed)
    ks = jax.random.split(key, 12)
    x = jax.random.normal(ks[0], (N, D), dtype=jnp.float32)
    edge_index = jax.random.randint(ks[1], (2, E), 0, N)
    s1 = 1.0 / np.sqrt(D)
    s2 = 1.0 / np.sqrt(H)
    W1_rel = jax.random.uniform(ks[2], (D, H), jnp.float32, -s1, s1)
    b1 = jax.random.uniform(ks[3], (H,), jnp.float32, -s1, s1)
    W1_root = jax.random.uniform(ks[4], (D, H), jnp.float32, -s1, s1)
    W2_rel = jax.random.uniform(ks[5], (H, H), jnp.float32, -s2, s2)
    b2 = jax.random.uniform(ks[6], (H,), jnp.float32, -s2, s2)
    W2_root = jax.random.uniform(ks[7], (H, H), jnp.float32, -s2, s2)
    W3 = jax.random.uniform(ks[8], (H, OUT), jnp.float32, -s2, s2)
    b3 = jax.random.uniform(ks[9], (OUT,), jnp.float32, -s2, s2)
    return {"x": x, "edge_index": edge_index,
            "W1_rel": W1_rel, "b1": b1, "W1_root": W1_root,
            "W2_rel": W2_rel, "b2": b2, "W2_root": W2_root,
            "W3": W3, "b3": b3}


def _graph_conv(x, src, dst, W_rel, b_rel, W_root):
    # PyG GraphConv (aggr='add'): out = lin_rel(sum_{j in N(i)} x_j) + lin_root(x_i)
    msgs = jnp.take(x, src, axis=0)
    agg = jax.ops.segment_sum(msgs, dst, num_segments=N)
    return agg @ W_rel + b_rel + x @ W_root


def reference(x, edge_index, W1_rel, b1, W1_root, W2_rel, b2, W2_root, W3, b3):
    src = edge_index[0]
    dst = edge_index[1]
    h = _graph_conv(x, src, dst, W1_rel, b1, W1_root)
    h = jax.nn.relu(h)
    h = _graph_conv(h, src, dst, W2_rel, b2, W2_root)
    h = jax.nn.relu(h)
    out = h @ W3 + b3
    return out

if __name__ == "__main__":
    import jax
    _d = setup_inputs()
    print(jax.jit(kernel)(*tuple(_d.values())))

</pallas_src>

<mosaic_0001>
#map = affine_map<(d0, d1) -> (0, 0)>
#map1 = affine_map<(d0, d1) -> (0, 0, 0)>
module attributes {stable_mosaic.version = 14 : i64} {
  func.func @_seg_sum_body(%arg0: i32, %arg1: i32, %arg2: memref<10000x128xf32, #tpu.memory_space<hbm>>, %arg3: memref<32x80x125xi32, #tpu.memory_space<hbm>>, %arg4: memref<32x80x125xi32, #tpu.memory_space<hbm>>, %arg5: memref<2x10000x128xf32, #tpu.memory_space<hbm>>, %arg6: memref<10000x128xf32, #tpu.memory_space<vmem_shared>>, %arg7: memref<40x125xi32, #tpu.memory_space<vmem>>, %arg8: memref<40x125xi32, #tpu.memory_space<vmem>>, %arg9: memref<125x128xf32, #tpu.memory_space<vmem>>, %arg10: memref<125x128xf32, #tpu.memory_space<vmem>>, %arg11: memref<!tpu.dma_semaphore, #tpu.memory_space<semaphore_mem>>, %arg12: memref<!tpu.dma_semaphore, #tpu.memory_space<semaphore_mem>>, %arg13: memref<!tpu.dma_semaphore, #tpu.memory_space<semaphore_mem>>, %arg14: memref<!tpu.dma_semaphore, #tpu.memory_space<semaphore_mem>>) attributes {dimension_semantics = [#tpu.dimension_semantics<core_parallel>, #tpu.dimension_semantics<subcore_parallel>], iteration_bounds = array<i64: 2, 16>, scalar_prefetch = 0 : i64, scratch_operands = 9 : i64, tpu.core_type = #tpu.core_type<sc_vector_subcore>, window_params = [{transform_indices = #map}, {transform_indices = #map1}, {transform_indices = #map1}, {transform_indices = #map1}]} {
    %mul3A = arith.constant 16 : i32
    %mul3A_0 = arith.muli %arg0, %mul3A : i32
    %add3A = arith.addi %mul3A_0, %arg1 : i32
    %broadcast_in_dim3A = arith.constant 0.000000e+00 : f32
    %broadcast_in_dim3A_1 = vector.broadcast %broadcast_in_dim3A : f32 to vector<16xf32>
    %scan3A = arith.constant 0 : i32
    %scan3A_2 = arith.constant 0 : i32
    %scan3A_3 = arith.constant 1000 : i32
    %scan3A_4 = arith.addi %scan3A_2, %scan3A_3 : i32
    %scan3A_5 = arith.constant 1 : i32
    scf.for %scan3A_119 = %scan3A_2 to %scan3A_4 step %scan3A_5  : i32 {
      %jit3A = arith.constant 8 : i32
      %div3A = arith.divsi %scan3A_119, %jit3A : i32
      %sign3A = arith.constant 0 : i32
      %sign3A_120 = arith.cmpi sgt, %scan3A_119, %sign3A : i32
      %sign3A_121 = arith.extui %sign3A_120 : i1 to i32
      %sign3A_122 = arith.constant 0 : i32
      %sign3A_123 = arith.cmpi slt, %scan3A_119, %sign3A_122 : i32
      %sign3A_124 = arith.extui %sign3A_123 : i1 to i32
      %sign3A_125 = arith.subi %sign3A_121, %sign3A_124 : i32
      %sign3A_126 = arith.constant 0 : i32
      %sign3A_127 = arith.cmpi sgt, %jit3A, %sign3A_126 : i32
      %sign3A_128 = arith.extui %sign3A_127 : i1 to i32
      %sign3A_129 = arith.constant 0 : i32
      %sign3A_130 = arith.cmpi slt, %jit3A, %sign3A_129 : i32
      %sign3A_131 = arith.extui %sign3A_130 : i1 to i32
      %sign3A_132 = arith.subi %sign3A_128, %sign3A_131 : i32
      %ne3A = arith.cmpi ne, %sign3A_125, %sign3A_132 : i32
      %rem3A = arith.remsi %scan3A_119, %jit3A : i32
      %ne3A_133 = arith.constant 0 : i32
      %ne3A_134 = arith.cmpi ne, %rem3A, %ne3A_133 : i32
      %and3A = arith.andi %ne3A, %ne3A_134 : i1
      %sub3A = arith.constant 1 : i32
      %sub3A_135 = arith.subi %div3A, %sub3A : i32
      %select_n3A = arith.select %and3A, %sub3A_135, %div3A : i32
      %jit3A_136 = arith.constant 8 : i32
      %eq3A = arith.constant 0 : i32
      %eq3A_137 = arith.cmpi eq, %jit3A_136, %eq3A : i32
      %jit3A_138 = arith.constant 1 : i32
      %select_n3A_139 = arith.select %eq3A_137, %jit3A_138, %jit3A_136 : i32
      %rem3A_140 = arith.remsi %scan3A_119, %select_n3A_139 : i32
      %ne3A_141 = arith.constant 0 : i32
      %ne3A_142 = arith.cmpi ne, %rem3A_140, %ne3A_141 : i32
      %lt3A_143 = arith.constant 0 : i32
      %lt3A_144 = arith.cmpi slt, %rem3A_140, %lt3A_143 : i32
      %lt3A_145 = arith.constant 0 : i32
      %lt3A_146 = arith.cmpi slt, %select_n3A_139, %lt3A_145 : i32
      %ne3A_147 = arith.xori %lt3A_144, %lt3A_146 : i1
      %and3A_148 = arith.andi %ne3A_147, %ne3A_142 : i1
      %add3A_149 = arith.addi %rem3A_140, %select_n3A_139 : i32
      %select_n3A_150 = arith.select %and3A_148, %add3A_149, %rem3A_140 : i32
      %mul3A_151 = arith.constant 16 : i32
      %mul3A_152 = arith.muli %select_n3A_150, %mul3A_151 : i32
      %swap3A = arith.index_cast %select_n3A : i32 to index
      %swap3A_153 = arith.index_cast %mul3A_152 : i32 to index
      %swap3A_154 = tpu.vector_load %arg9[%swap3A, %swap3A_153] {strides = array<i32>} : memref<125x128xf32, #tpu.memory_space<vmem>>, vector<1x16xf32>,
      %swap3A_155 = vector.shape_cast %swap3A_154 : vector<1x16xf32> to vector<16xf32>
      %swap3A_156 = vector.shape_cast %broadcast_in_dim3A_1 : vector<16xf32> to vector<1x16xf32>
      tpu.vector_store %arg9[%swap3A, %swap3A_153], %swap3A_156 {strides = array<i32>} : memref<125x128xf32, #tpu.memory_space<vmem>>, vector<1x16xf32>,
    }
    %scan3A_6 = arith.constant 1000 : i32
    %mul3A_7 = arith.constant 625 : i32
    %mul3A_8 = arith.muli %arg1, %mul3A_7 : i32
    %add3A_9 = arith.constant 0 : i32
    %add3A_10 = arith.addi %mul3A_8, %add3A_9 : i32
    "tpu.region"() ({
      %run_scoped3A = tpu.sem_alloc : memref<!tpu.dma_semaphore, #tpu.memory_space<semaphore_mem>>
      %dma_start3A_119 = arith.constant 0 : i32
      %dma_start3A_120 = tpu.memref_slice %arg6[%add3A_10, %dma_start3A_119] : memref<10000x128xf32, #tpu.memory_space<vmem_shared>> -> memref<125x128xf32, #tpu.memory_space<vmem_shared>>
      %dma_start3A_121 = arith.constant 0 : i32
      %dma_start3A_122 = tpu.memref_slice %arg6[%add3A_10, %dma_start3A_121] : memref<10000x128xf32, #tpu.memory_space<vmem_shared>> -> memref<125x128xf32, #tpu.memory_space<vmem_shared>>
      tpu.enqueue_dma source(%arg9 : memref<125x128xf32, #tpu.memory_space<vmem>>) target(%dma_start3A_122 : memref<125x128xf32, #tpu.memory_space<vmem_shared>>) target_semaphore(%run_scoped3A : memref<!tpu.dma_semaphore, #tpu.memory_space<semaphore_mem>>)
      %dma_wait3A_123 = arith.constant 0 : i32
      %dma_wait3A_124 = tpu.memref_slice %arg6[%add3A_10, %dma_wait3A_123] : memref<10000x128xf32, #tpu.memory_space<vmem_shared>> -> memref<125x128xf32, #tpu.memory_space<vmem_shared>>
      %dma_wait3A_125 = arith.constant 0 : i32
      %dma_wait3A_126 = tpu.memref_slice %arg6[%add3A_10, %dma_wait3A_125] : memref<10000x128xf32, #tpu.memory_space<vmem_shared>> -> memref<125x128xf32, #tpu.memory_space<vmem_shared>>
      tpu.wait_dma2 semaphore(%run_scoped3A : memref<!tpu.dma_semaphore, #tpu.memory_space<semaphore_mem>>) src(%arg9 : memref<125x128xf32, #tpu.memory_space<vmem>>) dst(%dma_wait3A_126 : memref<125x128xf32, #tpu.memory_space<vmem_shared>>)
      tpu.yield
    }) : () -> ()
    %mul3A_11 = arith.constant 625 : i32
    %mul3A_12 = arith.muli %arg1, %mul3A_11 : i32
    %add3A_13 = arith.constant 125 : i32
    %add3A_14 = arith.addi %mul3A_12, %add3A_13 : i32
    "tpu.region"() ({
      %run_scoped3A = tpu.sem_alloc : memref<!tpu.dma_semaphore, #tpu.memory_space<semaphore_mem>>
      %dma_start3A_119 = arith.constant 0 : i32
      %dma_start3A_120 = tpu.memref_slice %arg6[%add3A_14, %dma_start3A_119] : memref<10000x128xf32, #tpu.memory_space<vmem_shared>> -> memref<125x128xf32, #tpu.memory_space<vmem_shared>>
      %dma_start3A_121 = arith.constant 0 : i32
      %dma_start3A_122 = tpu.memref_slice %arg6[%add3A_14, %dma_start3A_121] : memref<10000x128xf32, #tpu.memory_space<vmem_shared>> -> memref<125x128xf32, #tpu.memory_space<vmem_shared>>
      tpu.enqueue_dma source(%arg9 : memref<125x128xf32, #tpu.memory_space<vmem>>) target(%dma_start3A_122 : memref<125x128xf32, #tpu.memory_space<vmem_shared>>) target_semaphore(%run_scoped3A : memref<!tpu.dma_semaphore, #tpu.memory_space<semaphore_mem>>)
      %dma_wait3A_123 = arith.constant 0 : i32
      %dma_wait3A_124 = tpu.memref_slice %arg6[%add3A_14, %dma_wait3A_123] : memref<10000x128xf32, #tpu.memory_space<vmem_shared>> -> memref<125x128xf32, #tpu.memory_space<vmem_shared>>
      %dma_wait3A_125 = arith.constant 0 : i32
      %dma_wait3A_126 = tpu.memref_slice %arg6[%add3A_14, %dma_wait3A_125] : memref<10000x128xf32, #tpu.memory_space<vmem_shared>> -> memref<125x128xf32, #tpu.memory_space<vmem_shared>>
      tpu.wait_dma2 semaphore(%run_scoped3A : memref<!tpu.dma_semaphore, #tpu.memory_space<semaphore_mem>>) src(%arg9 : memref<125x128xf32, #tpu.memory_space<vmem>>) dst(%dma_wait3A_126 : memref<125x128xf32, #tpu.memory_space<vmem_shared>>)
      tpu.yield
    }) : () -> ()
    %mul3A_15 = arith.constant 625 : i32
    %mul3A_16 = arith.muli %arg1, %mul3A_15 : i32
    %add3A_17 = arith.constant 250 : i32
    %add3A_18 = arith.addi %mul3A_16, %add3A_17 : i32
    "tpu.region"() ({
      %run_scoped3A = tpu.sem_alloc : memref<!tpu.dma_semaphore, #tpu.memory_space<semaphore_mem>>
      %dma_start3A_119 = arith.constant 0 : i32
      %dma_start3A_120 = tpu.memref_slice %arg6[%add3A_18, %dma_start3A_119] : memref<10000x128xf32, #tpu.memory_space<vmem_shared>> -> memref<125x128xf32, #tpu.memory_space<vmem_shared>>
      %dma_start3A_121 = arith.constant 0 : i32
      %dma_start3A_122 = tpu.memref_slice %arg6[%add3A_18, %dma_start3A_121] : memref<10000x128xf32, #tpu.memory_space<vmem_shared>> -> memref<125x128xf32, #tpu.memory_space<vmem_shared>>
      tpu.enqueue_dma source(%arg9 : memref<125x128xf32, #tpu.memory_space<vmem>>) target(%dma_start3A_122 : memref<125x128xf32, #tpu.memory_space<vmem_shared>>) target_semaphore(%run_scoped3A : memref<!tpu.dma_semaphore, #tpu.memory_space<semaphore_mem>>)
      %dma_wait3A_123 = arith.constant 0 : i32
      %dma_wait3A_124 = tpu.memref_slice %arg6[%add3A_18, %dma_wait3A_123] : memref<10000x128xf32, #tpu.memory_space<vmem_shared>> -> memref<125x128xf32, #tpu.memory_space<vmem_shared>>
      %dma_wait3A_125 = arith.constant 0 : i32
      %dma_wait3A_126 = tpu.memref_slice %arg6[%add3A_18, %dma_wait3A_125] : memref<10000x128xf32, #tpu.memory_space<vmem_shared>> -> memref<125x128xf32, #tpu.memory_space<vmem_shared>>
      tpu.wait_dma2 semaphore(%run_scoped3A : memref<!tpu.dma_semaphore, #tpu.memory_space<semaphore_mem>>) src(%arg9 : memref<125x128xf32, #tpu.memory_space<vmem>>) dst(%dma_wait3A_126 : memref<125x128xf32, #tpu.memory_space<vmem_shared>>)
      tpu.yield
    }) : () -> ()
    %mul3A_19 = arith.constant 625 : i32
    %mul3A_20 = arith.muli %arg1, %mul3A_19 : i32
    %add3A_21 = arith.constant 375 : i32
    %add3A_22 = arith.addi %mul3A_20, %add3A_21 : i32
    "tpu.region"() ({
      %run_scoped3A = tpu.sem_alloc : memref<!tpu.dma_semaphore, #tpu.memory_space<semaphore_mem>>
      %dma_start3A_119 = arith.constant 0 : i32
      %dma_start3A_120 = tpu.memref_slice %arg6[%add3A_22, %dma_start3A_119] : memref<10000x128xf32, #tpu.memory_space<vmem_shared>> -> memref<125x128xf32, #tpu.memory_space<vmem_shared>>
      %dma_start3A_121 = arith.constant 0 : i32
      %dma_start3A_122 = tpu.memref_slice %arg6[%add3A_22, %dma_start3A_121] : memref<10000x128xf32, #tpu.memory_space<vmem_shared>> -> memref<125x128xf32, #tpu.memory_space<vmem_shared>>
      tpu.enqueue_dma source(%arg9 : memref<125x128xf32, #tpu.memory_space<vmem>>) target(%dma_start3A_122 : memref<125x128xf32, #tpu.memory_space<vmem_shared>>) target_semaphore(%run_scoped3A : memref<!tpu.dma_semaphore, #tpu.memory_space<semaphore_mem>>)
      %dma_wait3A_123 = arith.constant 0 : i32
      %dma_wait3A_124 = tpu.memref_slice %arg6[%add3A_22, %dma_wait3A_123] : memref<10000x128xf32, #tpu.memory_space<vmem_shared>> -> memref<125x128xf32, #tpu.memory_space<vmem_shared>>
      %dma_wait3A_125 = arith.constant 0 : i32
      %dma_wait3A_126 = tpu.memref_slice %arg6[%add3A_22, %dma_wait3A_125] : memref<10000x128xf32, #tpu.memory_space<vmem_shared>> -> memref<125x128xf32, #tpu.memory_space<vmem_shared>>
      tpu.wait_dma2 semaphore(%run_scoped3A : memref<!tpu.dma_semaphore, #tpu.memory_space<semaphore_mem>>) src(%arg9 : memref<125x128xf32, #tpu.memory_space<vmem>>) dst(%dma_wait3A_126 : memref<125x128xf32, #tpu.memory_space<vmem_shared>>)
      tpu.yield
    }) : () -> ()
    %mul3A_23 = arith.constant 625 : i32
    %mul3A_24 = arith.muli %arg1, %mul3A_23 : i32
    %add3A_25 = arith.constant 500 : i32
    %add3A_26 = arith.addi %mul3A_24, %add3A_25 : i32
    "tpu.region"() ({
      %run_scoped3A = tpu.sem_alloc : memref<!tpu.dma_semaphore, #tpu.memory_space<semaphore_mem>>
      %dma_start3A_119 = arith.constant 0 : i32
      %dma_start3A_120 = tpu.memref_slice %arg6[%add3A_26, %dma_start3A_119] : memref<10000x128xf32, #tpu.memory_space<vmem_shared>> -> memref<125x128xf32, #tpu.memory_space<vmem_shared>>
      %dma_start3A_121 = arith.constant 0 : i32
      %dma_start3A_122 = tpu.memref_slice %arg6[%add3A_26, %dma_start3A_121] : memref<10000x128xf32, #tpu.memory_space<vmem_shared>> -> memref<125x128xf32, #tpu.memory_space<vmem_shared>>
      tpu.enqueue_dma source(%arg9 : memref<125x128xf32, #tpu.memory_space<vmem>>) target(%dma_start3A_122 : memref<125x128xf32, #tpu.memory_space<vmem_shared>>) target_semaphore(%run_scoped3A : memref<!tpu.dma_semaphore, #tpu.memory_space<semaphore_mem>>)
      %dma_wait3A_123 = arith.constant 0 : i32
      %dma_wait3A_124 = tpu.memref_slice %arg6[%add3A_26, %dma_wait3A_123] : memref<10000x128xf32, #tpu.memory_space<vmem_shared>> -> memref<125x128xf32, #tpu.memory_space<vmem_shared>>
      %dma_wait3A_125 = arith.constant 0 : i32
      %dma_wait3A_126 = tpu.memref_slice %arg6[%add3A_26, %dma_wait3A_125] : memref<10000x128xf32, #tpu.memory_space<vmem_shared>> -> memref<125x128xf32, #tpu.memory_space<vmem_shared>>
      tpu.wait_dma2 semaphore(%run_scoped3A : memref<!tpu.dma_semaphore, #tpu.memory_space<semaphore_mem>>) src(%arg9 : memref<125x128xf32, #tpu.memory_space<vmem>>) dst(%dma_wait3A_126 : memref<125x128xf32, #tpu.memory_space<vmem_shared>>)
      tpu.yield
    }) : () -> ()
    %barrier3A = arith.constant 0 : index
    tpu.barrier barrier_id(%barrier3A)
    "tpu.region"() ({
      %run_scoped3A = tpu.sem_alloc : memref<!tpu.dma_semaphore, #tpu.memory_space<semaphore_mem>>
      %dma_start3A_119 = arith.constant 0 : i32
      %dma_start3A_120 = arith.constant 0 : i32
      %dma_start3A_121 = tpu.memref_slice %arg3[%add3A, %dma_start3A_119, %dma_start3A_120] : memref<32x80x125xi32, #tpu.memory_space<hbm>> -> memref<1x40x125xi32, #tpu.memory_space<hbm>>
      %dma_start3A_122 = tpu.memref_squeeze %dma_start3A_121 : memref<1x40x125xi32, #tpu.memory_space<hbm>> -> memref<40x125xi32, #tpu.memory_space<hbm>>
      %dma_start3A_123 = arith.constant 0 : i32
      %dma_start3A_124 = arith.constant 0 : i32
      %dma_start3A_125 = tpu.memref_slice %arg3[%add3A, %dma_start3A_123, %dma_start3A_124] : memref<32x80x125xi32, #tpu.memory_space<hbm>> -> memref<1x40x125xi32, #tpu.memory_space<hbm>>
      %dma_start3A_126 = tpu.memref_squeeze %dma_start3A_125 : memref<1x40x125xi32, #tpu.memory_space<hbm>> -> memref<40x125xi32, #tpu.memory_space<hbm>>
      tpu.enqueue_dma source(%dma_start3A_126 : memref<40x125xi32, #tpu.memory_space<hbm>>) target(%arg7 : memref<40x125xi32, #tpu.memory_space<vmem>>) target_semaphore(%run_scoped3A : memref<!tpu.dma_semaphore, #tpu.memory_space<semaphore_mem>>)
      %dma_wait3A_127 = arith.constant 0 : i32
      %dma_wait3A_128 = arith.constant 0 : i32
      %dma_wait3A_129 = tpu.memref_slice %arg3[%add3A, %dma_wait3A_127, %dma_wait3A_128] : memref<32x80x125xi32, #tpu.memory_space<hbm>> -> memref<1x40x125xi32, #tpu.memory_space<hbm>>
      %dma_wait3A_130 = tpu.memref_squeeze %dma_wait3A_129 : memref<1x40x125xi32, #tpu.memory_space<hbm>> -> memref<40x125xi32, #tpu.memory_space<hbm>>
      %dma_wait3A_131 = arith.constant 0 : i32
      %dma_wait3A_132 = arith.constant 0 : i32
      %dma_wait3A_133 = tpu.memref_slice %arg3[%add3A, %dma_wait3A_131, %dma_wait3A_132] : memref<32x80x125xi32, #tpu.memory_space<hbm>> -> memref<1x40x125xi32, #tpu.memory_space<hbm>>
      %dma_wait3A_134 = tpu.memref_squeeze %dma_wait3A_133 : memref<1x40x125xi32, #tpu.memory_space<hbm>> -> memref<40x125xi32, #tpu.memory_space<hbm>>
      tpu.wait_dma2 semaphore(%run_scoped3A : memref<!tpu.dma_semaphore, #tpu.memory_space<semaphore_mem>>) src(%dma_wait3A_134 : memref<40x125xi32, #tpu.memory_space<hbm>>) dst(%arg7 : memref<40x125xi32, #tpu.memory_space<vmem>>)
      tpu.yield
    }) : () -> ()
    "tpu.region"() ({
      %run_scoped3A = tpu.sem_alloc : memref<!tpu.dma_semaphore, #tpu.memory_space<semaphore_mem>>
      %dma_start3A_119 = arith.constant 0 : i32
      %dma_start3A_120 = arith.constant 0 : i32
      %dma_start3A_121 = tpu.memref_slice %arg4[%add3A, %dma_start3A_119, %dma_start3A_120] : memref<32x80x125xi32, #tpu.memory_space<hbm>> -> memref<1x40x125xi32, #tpu.memory_space<hbm>>
      %dma_start3A_122 = tpu.memref_squeeze %dma_start3A_121 : memref<1x40x125xi32, #tpu.memory_space<hbm>> -> memref<40x125xi32, #tpu.memory_space<hbm>>
      %dma_start3A_123 = arith.constant 0 : i32
      %dma_start3A_124 = arith.constant 0 : i32
      %dma_start3A_125 = tpu.memref_slice %arg4[%add3A, %dma_start3A_123, %dma_start3A_124] : memref<32x80x125xi32, #tpu.memory_space<hbm>> -> memref<1x40x125xi32, #tpu.memory_space<hbm>>
      %dma_start3A_126 = tpu.memref_squeeze %dma_start3A_125 : memref<1x40x125xi32, #tpu.memory_space<hbm>> -> memref<40x125xi32, #tpu.memory_space<hbm>>
      tpu.enqueue_dma source(%dma_start3A_126 : memref<40x125xi32, #tpu.memory_space<hbm>>) target(%arg8 : memref<40x125xi32, #tpu.memory_space<vmem>>) target_semaphore(%run_scoped3A : memref<!tpu.dma_semaphore, #tpu.memory_space<semaphore_mem>>)
      %dma_wait3A_127 = arith.constant 0 : i32
      %dma_wait3A_128 = arith.constant 0 : i32
      %dma_wait3A_129 = tpu.memref_slice %arg4[%add3A, %dma_wait3A_127, %dma_wait3A_128] : memref<32x80x125xi32, #tpu.memory_space<hbm>> -> memref<1x40x125xi32, #tpu.memory_space<hbm>>
      %dma_wait3A_130 = tpu.memref_squeeze %dma_wait3A_129 : memref<1x40x125xi32, #tpu.memory_space<hbm>> -> memref<40x125xi32, #tpu.memory_space<hbm>>
      %dma_wait3A_131 = arith.constant 0 : i32
      %dma_wait3A_132 = arith.constant 0 : i32
      %dma_wait3A_133 = tpu.memref_slice %arg4[%add3A, %dma_wait3A_131, %dma_wait3A_132] : memref<32x80x125xi32, #tpu.memory_space<hbm>> -> memref<1x40x125xi32, #tpu.memory_space<hbm>>
      %dma_wait3A_134 = tpu.memref_squeeze %dma_wait3A_133 : memref<1x40x125xi32, #tpu.memory_space<hbm>> -> memref<40x125xi32, #tpu.memory_space<hbm>>
      tpu.wait_dma2 semaphore(%run_scoped3A : memref<!tpu.dma_semaphore, #tpu.memory_space<semaphore_mem>>) src(%dma_wait3A_134 : memref<40x125xi32, #tpu.memory_space<hbm>>) dst(%arg8 : memref<40x125xi32, #tpu.memory_space<vmem>>)
      tpu.yield
    }) : () -> ()
    %dma_start3A = arith.constant 0 : i32
    %dma_start3A_27 = arith.constant 0 : i32
    %dma_start3A_28 = tpu.memref_slice %arg7[%dma_start3A, %dma_start3A_27] : memref<40x125xi32, #tpu.memory_space<vmem>> -> memref<1x125xi32, #tpu.memory_space<vmem>>
    %dma_start3A_29 = tpu.memref_squeeze %dma_start3A_28 : memref<1x125xi32, #tpu.memory_space<vmem>> -> memref<125xi32, #tpu.memory_space<vmem>>
    %dma_start3A_30 = arith.constant 0 : i32
    %dma_start3A_31 = arith.constant 0 : i32
    %dma_start3A_32 = tpu.memref_slice %arg2[%dma_start3A_30, %dma_start3A_31] : memref<10000x128xf32, #tpu.memory_space<hbm>> -> memref<10000x128xf32, #tpu.memory_space<hbm>>
    tpu.enqueue_indirect_dma source(%dma_start3A_32 : memref<10000x128xf32, #tpu.memory_space<hbm>>) target(%arg9 : memref<125x128xf32, #tpu.memory_space<vmem>>) offsets(%dma_start3A_29 : memref<125xi32, #tpu.memory_space<vmem>>) semaphore(%arg11 : memref<!tpu.dma_semaphore, #tpu.memory_space<semaphore_mem>>)
    %dma_start3A_33 = arith.constant 1 : i32
    %dma_start3A_34 = arith.constant 0 : i32
    %dma_start3A_35 = tpu.memref_slice %arg7[%dma_start3A_33, %dma_start3A_34] : memref<40x125xi32, #tpu.memory_space<vmem>> -> memref<1x125xi32, #tpu.memory_space<vmem>>
    %dma_start3A_36 = tpu.memref_squeeze %dma_start3A_35 : memref<1x125xi32, #tpu.memory_space<vmem>> -> memref<125xi32, #tpu.memory_space<vmem>>
    %dma_start3A_37 = arith.constant 0 : i32
    %dma_start3A_38 = arith.constant 0 : i32
    %dma_start3A_39 = tpu.memref_slice %arg2[%dma_start3A_37, %dma_start3A_38] : memref<10000x128xf32, #tpu.memory_space<hbm>> -> memref<10000x128xf32, #tpu.memory_space<hbm>>
    tpu.enqueue_indirect_dma source(%dma_start3A_39 : memref<10000x128xf32, #tpu.memory_space<hbm>>) target(%arg10 : memref<125x128xf32, #tpu.memory_space<vmem>>) offsets(%dma_start3A_36 : memref<125xi32, #tpu.memory_space<vmem>>) semaphore(%arg12 : memref<!tpu.dma_semaphore, #tpu.memory_space<semaphore_mem>>)
    %scan3A_40 = arith.constant 0 : i32
    %scan3A_41 = arith.constant 0 : i32
    %scan3A_42 = arith.constant 20 : i32
    %scan3A_43 = arith.addi %scan3A_41, %scan3A_42 : i32
    %scan3A_44 = arith.constant 1 : i32
    scf.for %scan3A_119 = %scan3A_41 to %scan3A_43 step %scan3A_44  : i32 {
      %mul3A_120 = arith.constant 2 : i32
      %mul3A_121 = arith.muli %scan3A_119, %mul3A_120 : i32
      %dma_wait3A_122 = arith.constant 0 : i32
      %dma_wait3A_123 = tpu.memref_slice %arg7[%mul3A_121, %dma_wait3A_122] : memref<40x125xi32, #tpu.memory_space<vmem>> -> memref<1x125xi32, #tpu.memory_space<vmem>>
      %dma_wait3A_124 = tpu.memref_squeeze %dma_wait3A_123 : memref<1x125xi32, #tpu.memory_space<vmem>> -> memref<125xi32, #tpu.memory_space<vmem>>
      %dma_wait3A_125 = arith.constant 0 : i32
      %dma_wait3A_126 = arith.constant 0 : i32
      %dma_wait3A_127 = tpu.memref_slice %arg2[%dma_wait3A_125, %dma_wait3A_126] : memref<10000x128xf32, #tpu.memory_space<hbm>> -> memref<10000x128xf32, #tpu.memory_space<hbm>>
      tpu.wait_indirect_dma semaphore(%arg11 : memref<!tpu.dma_semaphore, #tpu.memory_space<semaphore_mem>>) src(%dma_wait3A_127 : memref<10000x128xf32, #tpu.memory_space<hbm>>) dst(%arg9 : memref<125x128xf32, #tpu.memory_space<vmem>>)
      %dma_start3A_128 = arith.constant 0 : i32
      %dma_start3A_129 = tpu.memref_slice %arg8[%mul3A_121, %dma_start3A_128] : memref<40x125xi32, #tpu.memory_space<vmem>> -> memref<1x125xi32, #tpu.memory_space<vmem>>
      %dma_start3A_130 = tpu.memref_squeeze %dma_start3A_129 : memref<1x125xi32, #tpu.memory_space<vmem>> -> memref<125xi32, #tpu.memory_space<vmem>>
      %dma_start3A_131 = arith.constant 0 : i32
      %dma_start3A_132 = arith.constant 0 : i32
      %dma_start3A_133 = tpu.memref_slice %arg6[%dma_start3A_131, %dma_start3A_132] : memref<10000x128xf32, #tpu.memory_space<vmem_shared>> -> memref<10000x128xf32, #tpu.memory_space<vmem_shared>>
      tpu.enqueue_indirect_dma source(%arg9 : memref<125x128xf32, #tpu.memory_space<vmem>>) target(%dma_start3A_133 : memref<10000x128xf32, #tpu.memory_space<vmem_shared>>) offsets(%dma_start3A_130 : memref<125xi32, #tpu.memory_space<vmem>>) semaphore(%arg13 : memref<!tpu.dma_semaphore, #tpu.memory_space<semaphore_mem>>) {add = true}
      %add3A_134 = arith.constant 2 : i32
      %add3A_135 = arith.addi %mul3A_121, %add3A_134 : i32
      %lt3A_136 = arith.constant 40 : i32
      %lt3A_137 = arith.cmpi slt, %add3A_135, %lt3A_136 : i32
      %convert_element_type3A_138 = arith.extui %lt3A_137 : i1 to i32
      %cond3A_139 = arith.constant 0 : i32
      %cond3A_140 = arith.cmpi ne, %convert_element_type3A_138, %cond3A_139 : i32
      scf.if %cond3A_140 {
        %dma_wait3A_164 = arith.constant 0 : i32
        %dma_wait3A_165 = tpu.memref_slice %arg8[%mul3A_121, %dma_wait3A_164] : memref<40x125xi32, #tpu.memory_space<vmem>> -> memref<1x125xi32, #tpu.memory_space<vmem>>
        %dma_wait3A_166 = tpu.memref_squeeze %dma_wait3A_165 : memref<1x125xi32, #tpu.memory_space<vmem>> -> memref<125xi32, #tpu.memory_space<vmem>>
        %dma_wait3A_167 = arith.constant 0 : i32
        %dma_wait3A_168 = arith.constant 0 : i32
        %dma_wait3A_169 = tpu.memref_slice %arg6[%dma_wait3A_167, %dma_wait3A_168] : memref<10000x128xf32, #tpu.memory_space<vmem_shared>> -> memref<10000x128xf32, #tpu.memory_space<vmem_shared>>
        tpu.wait_indirect_dma semaphore(%arg13 : memref<!tpu.dma_semaphore, #tpu.memory_space<semaphore_mem>>) src(%arg9 : memref<125x128xf32, #tpu.memory_space<vmem>>) dst(%dma_wait3A_169 : memref<10000x128xf32, #tpu.memory_space<vmem_shared>>)
        %add3A_170 = arith.constant 2 : i32
        %add3A_171 = arith.addi %mul3A_121, %add3A_170 : i32
        %dma_start3A_172 = arith.constant 0 : i32
        %dma_start3A_173 = tpu.memref_slice %arg7[%add3A_171, %dma_start3A_172] : memref<40x125xi32, #tpu.memory_space<vmem>> -> memref<1x125xi32, #tpu.memory_space<vmem>>
        %dma_start3A_174 = tpu.memref_squeeze %dma_start3A_173 : memref<1x125xi32, #tpu.memory_space<vmem>> -> memref<125xi32, #tpu.memory_space<vmem>>
        %dma_start3A_175 = arith.constant 0 : i32
        %dma_start3A_176 = arith.constant 0 : i32
        %dma_start3A_177 = tpu.memref_slice %arg2[%dma_start3A_175, %dma_start3A_176] : memref<10000x128xf32, #tpu.memory_space<hbm>> -> memref<10000x128xf32, #tpu.memory_space<hbm>>
        tpu.enqueue_indirect_dma source(%dma_start3A_177 : memref<10000x128xf32, #tpu.memory_space<hbm>>) target(%arg9 : memref<125x128xf32, #tpu.memory_space<vmem>>) offsets(%dma_start3A_174 : memref<125xi32, #tpu.memory_space<vmem>>) semaphore(%arg11 : memref<!tpu.dma_semaphore, #tpu.memory_space<semaphore_mem>>)
      } else {
      }
      %add3A_141 = arith.constant 1 : i32
      %add3A_142 = arith.addi %mul3A_121, %add3A_141 : i32
      %dma_wait3A_143 = arith.constant 0 : i32
      %dma_wait3A_144 = tpu.memref_slice %arg7[%add3A_142, %dma_wait3A_143] : memref<40x125xi32, #tpu.memory_space<vmem>> -> memref<1x125xi32, #tpu.memory_space<vmem>>
      %dma_wait3A_145 = tpu.memref_squeeze %dma_wait3A_144 : memref<1x125xi32, #tpu.memory_space<vmem>> -> memref<125xi32, #tpu.memory_space<vmem>>
      %dma_wait3A_146 = arith.constant 0 : i32
      %dma_wait3A_147 = arith.constant 0 : i32
      %dma_wait3A_148 = tpu.memref_slice %arg2[%dma_wait3A_146, %dma_wait3A_147] : memref<10000x128xf32, #tpu.memory_space<hbm>> -> memref<10000x128xf32, #tpu.memory_space<hbm>>
      tpu.wait_indirect_dma semaphore(%arg12 : memref<!tpu.dma_semaphore, #tpu.memory_space<semaphore_mem>>) src(%dma_wait3A_148 : memref<10000x128xf32, #tpu.memory_space<hbm>>) dst(%arg10 : memref<125x128xf32, #tpu.memory_space<vmem>>)
      %add3A_149 = arith.constant 1 : i32
      %add3A_150 = arith.addi %mul3A_121, %add3A_149 : i32
      %dma_start3A_151 = arith.constant 0 : i32
      %dma_start3A_152 = tpu.memref_slice %arg8[%add3A_150, %dma_start3A_151] : memref<40x125xi32, #tpu.memory_space<vmem>> -> memref<1x125xi32, #tpu.memory_space<vmem>>
      %dma_start3A_153 = tpu.memref_squeeze %dma_start3A_152 : memref<1x125xi32, #tpu.memory_space<vmem>> -> memref<125xi32, #tpu.memory_space<vmem>>
      %dma_start3A_154 = arith.constant 0 : i32
      %dma_start3A_155 = arith.constant 0 : i32
      %dma_start3A_156 = tpu.memref_slice %arg6[%dma_start3A_154, %dma_start3A_155] : memref<10000x128xf32, #tpu.memory_space<vmem_shared>> -> memref<10000x128xf32, #tpu.memory_space<vmem_shared>>
      tpu.enqueue_indirect_dma source(%arg10 : memref<125x128xf32, #tpu.memory_space<vmem>>) target(%dma_start3A_156 : memref<10000x128xf32, #tpu.memory_space<vmem_shared>>) offsets(%dma_start3A_153 : memref<125xi32, #tpu.memory_space<vmem>>) semaphore(%arg14 : memref<!tpu.dma_semaphore, #tpu.memory_space<semaphore_mem>>) {add = true}
      %add3A_157 = arith.constant 3 : i32
      %add3A_158 = arith.addi %mul3A_121, %add3A_157 : i32
      %lt3A_159 = arith.constant 40 : i32
      %lt3A_160 = arith.cmpi slt, %add3A_158, %lt3A_159 : i32
      %convert_element_type3A_161 = arith.extui %lt3A_160 : i1 to i32
      %cond3A_162 = arith.constant 0 : i32
      %cond3A_163 = arith.cmpi ne, %convert_element_type3A_161, %cond3A_162 : i32
      scf.if %cond3A_163 {
        %add3A_164 = arith.constant 1 : i32
        %add3A_165 = arith.addi %mul3A_121, %add3A_164 : i32
        %dma_wait3A_166 = arith.constant 0 : i32
        %dma_wait3A_167 = tpu.memref_slice %arg8[%add3A_165, %dma_wait3A_166] : memref<40x125xi32, #tpu.memory_space<vmem>> -> memref<1x125xi32, #tpu.memory_space<vmem>>
        %dma_wait3A_168 = tpu.memref_squeeze %dma_wait3A_167 : memref<1x125xi32, #tpu.memory_space<vmem>> -> memref<125xi32, #tpu.memory_space<vmem>>
        %dma_wait3A_169 = arith.constant 0 : i32
        %dma_wait3A_170 = arith.constant 0 : i32
        %dma_wait3A_171 = tpu.memref_slice %arg6[%dma_wait3A_169, %dma_wait3A_170] : memref<10000x128xf32, #tpu.memory_space<vmem_shared>> -> memref<10000x128xf32, #tpu.memory_space<vmem_shared>>
        tpu.wait_indirect_dma semaphore(%arg14 : memref<!tpu.dma_semaphore, #tpu.memory_space<semaphore_mem>>) src(%arg10 : memref<125x128xf32, #tpu.memory_space<vmem>>) dst(%dma_wait3A_171 : memref<10000x128xf32, #tpu.memory_space<vmem_shared>>)
        %add3A_172 = arith.constant 3 : i32
        %add3A_173 = arith.addi %mul3A_121, %add3A_172 : i32
        %dma_start3A_174 = arith.constant 0 : i32
        %dma_start3A_175 = tpu.memref_slice %arg7[%add3A_173, %dma_start3A_174] : memref<40x125xi32, #tpu.memory_space<vmem>> -> memref<1x125xi32, #tpu.memory_space<vmem>>
        %dma_start3A_176 = tpu.memref_squeeze %dma_start3A_175 : memref<1x125xi32, #tpu.memory_space<vmem>> -> memref<125xi32, #tpu.memory_space<vmem>>
        %dma_start3A_177 = arith.constant 0 : i32
        %dma_start3A_178 = arith.constant 0 : i32
        %dma_start3A_179 = tpu.memref_slice %arg2[%dma_start3A_177, %dma_start3A_178] : memref<10000x128xf32, #tpu.memory_space<hbm>> -> memref<10000x128xf32, #tpu.memory_space<hbm>>
        tpu.enqueue_indirect_dma source(%dma_start3A_179 : memref<10000x128xf32, #tpu.memory_space<hbm>>) target(%arg10 : memref<125x128xf32, #tpu.memory_space<vmem>>) offsets(%dma_start3A_176 : memref<125xi32, #tpu.memory_space<vmem>>) semaphore(%arg12 : memref<!tpu.dma_semaphore, #tpu.memory_space<semaphore_mem>>)
      } else {
      }
    }
    %scan3A_45 = arith.constant 20 : i32
    %dma_wait3A = arith.constant 0 : i32
    %dma_wait3A_46 = arith.constant 0 : i32
    %dma_wait3A_47 = tpu.memref_slice %arg8[%dma_wait3A, %dma_wait3A_46] : memref<40x125xi32, #tpu.memory_space<vmem>> -> memref<1x125xi32, #tpu.memory_space<vmem>>
    %dma_wait3A_48 = tpu.memref_squeeze %dma_wait3A_47 : memref<1x125xi32, #tpu.memory_space<vmem>> -> memref<125xi32, #tpu.memory_space<vmem>>
    %dma_wait3A_49 = arith.constant 0 : i32
    %dma_wait3A_50 = arith.constant 0 : i32
    %dma_wait3A_51 = tpu.memref_slice %arg6[%dma_wait3A_49, %dma_wait3A_50] : memref<10000x128xf32, #tpu.memory_space<vmem_shared>> -> memref<10000x128xf32, #tpu.memory_space<vmem_shared>>
    tpu.wait_indirect_dma semaphore(%arg13 : memref<!tpu.dma_semaphore, #tpu.memory_space<semaphore_mem>>) src(%arg9 : memref<125x128xf32, #tpu.memory_space<vmem>>) dst(%dma_wait3A_51 : memref<10000x128xf32, #tpu.memory_space<vmem_shared>>)
    %dma_wait3A_52 = arith.constant 0 : i32
    %dma_wait3A_53 = arith.constant 0 : i32
    %dma_wait3A_54 = tpu.memref_slice %arg8[%dma_wait3A_52, %dma_wait3A_53] : memref<40x125xi32, #tpu.memory_space<vmem>> -> memref<1x125xi32, #tpu.memory_space<vmem>>
    %dma_wait3A_55 = tpu.memref_squeeze %dma_wait3A_54 : memref<1x125xi32, #tpu.memory_space<vmem>> -> memref<125xi32, #tpu.memory_space<vmem>>
    %dma_wait3A_56 = arith.constant 0 : i32
    %dma_wait3A_57 = arith.constant 0 : i32
    %dma_wait3A_58 = tpu.memref_slice %arg6[%dma_wait3A_56, %dma_wait3A_57] : memref<10000x128xf32, #tpu.memory_space<vmem_shared>> -> memref<10000x128xf32, #tpu.memory_space<vmem_shared>>
    tpu.wait_indirect_dma semaphore(%arg14 : memref<!tpu.dma_semaphore, #tpu.memory_space<semaphore_mem>>) src(%arg10 : memref<125x128xf32, #tpu.memory_space<vmem>>) dst(%dma_wait3A_58 : memref<10000x128xf32, #tpu.memory_space<vmem_shared>>)
    "tpu.region"() ({
      %run_scoped3A = tpu.sem_alloc : memref<!tpu.dma_semaphore, #tpu.memory_space<semaphore_mem>>
      %dma_start3A_119 = arith.constant 40 : i32
      %dma_start3A_120 = arith.constant 0 : i32
      %dma_start3A_121 = tpu.memref_slice %arg3[%add3A, %dma_start3A_119, %dma_start3A_120] : memref<32x80x125xi32, #tpu.memory_space<hbm>> -> memref<1x40x125xi32, #tpu.memory_space<hbm>>
      %dma_start3A_122 = tpu.memref_squeeze %dma_start3A_121 : memref<1x40x125xi32, #tpu.memory_space<hbm>> -> memref<40x125xi32, #tpu.memory_space<hbm>>
      %dma_start3A_123 = arith.constant 40 : i32
      %dma_start3A_124 = arith.constant 0 : i32
      %dma_start3A_125 = tpu.memref_slice %arg3[%add3A, %dma_start3A_123, %dma_start3A_124] : memref<32x80x125xi32, #tpu.memory_space<hbm>> -> memref<1x40x125xi32, #tpu.memory_space<hbm>>
      %dma_start3A_126 = tpu.memref_squeeze %dma_start3A_125 : memref<1x40x125xi32, #tpu.memory_space<hbm>> -> memref<40x125xi32, #tpu.memory_space<hbm>>
      tpu.enqueue_dma source(%dma_start3A_126 : memref<40x125xi32, #tpu.memory_space<hbm>>) target(%arg7 : memref<40x125xi32, #tpu.memory_space<vmem>>) target_semaphore(%run_scoped3A : memref<!tpu.dma_semaphore, #tpu.memory_space<semaphore_mem>>)
      %dma_wait3A_127 = arith.constant 40 : i32
      %dma_wait3A_128 = arith.constant 0 : i32
      %dma_wait3A_129 = tpu.memref_slice %arg3[%add3A, %dma_wait3A_127, %dma_wait3A_128] : memref<32x80x125xi32, #tpu.memory_space<hbm>> -> memref<1x40x125xi32, #tpu.memory_space<hbm>>
      %dma_wait3A_130 = tpu.memref_squeeze %dma_wait3A_129 : memref<1x40x125xi32, #tpu.memory_space<hbm>> -> memref<40x125xi32, #tpu.memory_space<hbm>>
      %dma_wait3A_131 = arith.constant 40 : i32
      %dma_wait3A_132 = arith.constant 0 : i32
      %dma_wait3A_133 = tpu.memref_slice %arg3[%add3A, %dma_wait3A_131, %dma_wait3A_132] : memref<32x80x125xi32, #tpu.memory_space<hbm>> -> memref<1x40x125xi32, #tpu.memory_space<hbm>>
      %dma_wait3A_134 = tpu.memref_squeeze %dma_wait3A_133 : memref<1x40x125xi32, #tpu.memory_space<hbm>> -> memref<40x125xi32, #tpu.memory_space<hbm>>
      tpu.wait_dma2 semaphore(%run_scoped3A : memref<!tpu.dma_semaphore, #tpu.memory_space<semaphore_mem>>) src(%dma_wait3A_134 : memref<40x125xi32, #tpu.memory_space<hbm>>) dst(%arg7 : memref<40x125xi32, #tpu.memory_space<vmem>>)
      tpu.yield
    }) : () -> ()
    "tpu.region"() ({
      %run_scoped3A = tpu.sem_alloc : memref<!tpu.dma_semaphore, #tpu.memory_space<semaphore_mem>>
      %dma_start3A_119 = arith.constant 40 : i32
      %dma_start3A_120 = arith.constant 0 : i32
      %dma_start3A_121 = tpu.memref_slice %arg4[%add3A, %dma_start3A_119, %dma_start3A_120] : memref<32x80x125xi32, #tpu.memory_space<hbm>> -> memref<1x40x125xi32, #tpu.memory_space<hbm>>
      %dma_start3A_122 = tpu.memref_squeeze %dma_start3A_121 : memref<1x40x125xi32, #tpu.memory_space<hbm>> -> memref<40x125xi32, #tpu.memory_space<hbm>>
      %dma_start3A_123 = arith.constant 40 : i32
      %dma_start3A_124 = arith.constant 0 : i32
      %dma_start3A_125 = tpu.memref_slice %arg4[%add3A, %dma_start3A_123, %dma_start3A_124] : memref<32x80x125xi32, #tpu.memory_space<hbm>> -> memref<1x40x125xi32, #tpu.memory_space<hbm>>
      %dma_start3A_126 = tpu.memref_squeeze %dma_start3A_125 : memref<1x40x125xi32, #tpu.memory_space<hbm>> -> memref<40x125xi32, #tpu.memory_space<hbm>>
      tpu.enqueue_dma source(%dma_start3A_126 : memref<40x125xi32, #tpu.memory_space<hbm>>) target(%arg8 : memref<40x125xi32, #tpu.memory_space<vmem>>) target_semaphore(%run_scoped3A : memref<!tpu.dma_semaphore, #tpu.memory_space<semaphore_mem>>)
      %dma_wait3A_127 = arith.constant 40 : i32
      %dma_wait3A_128 = arith.constant 0 : i32
      %dma_wait3A_129 = tpu.memref_slice %arg4[%add3A, %dma_wait3A_127, %dma_wait3A_128] : memref<32x80x125xi32, #tpu.memory_space<hbm>> -> memref<1x40x125xi32, #tpu.memory_space<hbm>>
      %dma_wait3A_130 = tpu.memref_squeeze %dma_wait3A_129 : memref<1x40x125xi32, #tpu.memory_space<hbm>> -> memref<40x125xi32, #tpu.memory_space<hbm>>
      %dma_wait3A_131 = arith.constant 40 : i32
      %dma_wait3A_132 = arith.constant 0 : i32
      %dma_wait3A_133 = tpu.memref_slice %arg4[%add3A, %dma_wait3A_131, %dma_wait3A_132] : memref<32x80x125xi32, #tpu.memory_space<hbm>> -> memref<1x40x125xi32, #tpu.memory_space<hbm>>
      %dma_wait3A_134 = tpu.memref_squeeze %dma_wait3A_133 : memref<1x40x125xi32, #tpu.memory_space<hbm>> -> memref<40x125xi32, #tpu.memory_space<hbm>>
      tpu.wait_dma2 semaphore(%run_scoped3A : memref<!tpu.dma_semaphore, #tpu.memory_space<semaphore_mem>>) src(%dma_wait3A_134 : memref<40x125xi32, #tpu.memory_space<hbm>>) dst(%arg8 : memref<40x125xi32, #tpu.memory_space<vmem>>)
      tpu.yield
    }) : () -> ()
    %dma_start3A_59 = arith.constant 0 : i32
    %dma_start3A_60 = arith.constant 0 : i32
    %dma_start3A_61 = tpu.memref_slice %arg7[%dma_start3A_59, %dma_start3A_60] : memref<40x125xi32, #tpu.memory_space<vmem>> -> memref<1x125xi32, #tpu.memory_space<vmem>>
    %dma_start3A_62 = tpu.memref_squeeze %dma_start3A_61 : memref<1x125xi32, #tpu.memory_space<vmem>> -> memref<125xi32, #tpu.memory_space<vmem>>
    %dma_start3A_63 = arith.constant 0 : i32
    %dma_start3A_64 = arith.constant 0 : i32
    %dma_start3A_65 = tpu.memref_slice %arg2[%dma_start3A_63, %dma_start3A_64] : memref<10000x128xf32, #tpu.memory_space<hbm>> -> memref<10000x128xf32, #tpu.memory_space<hbm>>
    tpu.enqueue_indirect_dma source(%dma_start3A_65 : memref<10000x128xf32, #tpu.memory_space<hbm>>) target(%arg9 : memref<125x128xf32, #tpu.memory_space<vmem>>) offsets(%dma_start3A_62 : memref<125xi32, #tpu.memory_space<vmem>>) semaphore(%arg11 : memref<!tpu.dma_semaphore, #tpu.memory_space<semaphore_mem>>)
    %dma_start3A_66 = arith.constant 1 : i32
    %dma_start3A_67 = arith.constant 0 : i32
    %dma_start3A_68 = tpu.memref_slice %arg7[%dma_start3A_66, %dma_start3A_67] : memref<40x125xi32, #tpu.memory_space<vmem>> -> memref<1x125xi32, #tpu.memory_space<vmem>>
    %dma_start3A_69 = tpu.memref_squeeze %dma_start3A_68 : memref<1x125xi32, #tpu.memory_space<vmem>> -> memref<125xi32, #tpu.memory_space<vmem>>
    %dma_start3A_70 = arith.constant 0 : i32
    %dma_start3A_71 = arith.constant 0 : i32
    %dma_start3A_72 = tpu.memref_slice %arg2[%dma_start3A_70, %dma_start3A_71] : memref<10000x128xf32, #tpu.memory_space<hbm>> -> memref<10000x128xf32, #tpu.memory_space<hbm>>
    tpu.enqueue_indirect_dma source(%dma_start3A_72 : memref<10000x128xf32, #tpu.memory_space<hbm>>) target(%arg10 : memref<125x128xf32, #tpu.memory_space<vmem>>) offsets(%dma_start3A_69 : memref<125xi32, #tpu.memory_space<vmem>>) semaphore(%arg12 : memref<!tpu.dma_semaphore, #tpu.memory_space<semaphore_mem>>)
    %scan3A_73 = arith.constant 0 : i32
    %scan3A_74 = arith.constant 0 : i32
    %scan3A_75 = arith.constant 20 : i32
    %scan3A_76 = arith.addi %scan3A_74, %scan3A_75 : i32
    %scan3A_77 = arith.constant 1 : i32
    scf.for %scan3A_119 = %scan3A_74 to %scan3A_76 step %scan3A_77  : i32 {
      %mul3A_120 = arith.constant 2 : i32
      %mul3A_121 = arith.muli %scan3A_119, %mul3A_120 : i32
      %dma_wait3A_122 = arith.constant 0 : i32
      %dma_wait3A_123 = tpu.memref_slice %arg7[%mul3A_121, %dma_wait3A_122] : memref<40x125xi32, #tpu.memory_space<vmem>> -> memref<1x125xi32, #tpu.memory_space<vmem>>
      %dma_wait3A_124 = tpu.memref_squeeze %dma_wait3A_123 : memref<1x125xi32, #tpu.memory_space<vmem>> -> memref<125xi32, #tpu.memory_space<vmem>>
      %dma_wait3A_125 = arith.constant 0 : i32
      %dma_wait3A_126 = arith.constant 0 : i32
      %dma_wait3A_127 = tpu.memref_slice %arg2[%dma_wait3A_125, %dma_wait3A_126] : memref<10000x128xf32, #tpu.memory_space<hbm>> -> memref<10000x128xf32, #tpu.memory_space<hbm>>
      tpu.wait_indirect_dma semaphore(%arg11 : memref<!tpu.dma_semaphore, #tpu.memory_space<semaphore_mem>>) src(%dma_wait3A_127 : memref<10000x128xf32, #tpu.memory_space<hbm>>) dst(%arg9 : memref<125x128xf32, #tpu.memory_space<vmem>>)
      %dma_start3A_128 = arith.constant 0 : i32
      %dma_start3A_129 = tpu.memref_slice %arg8[%mul3A_121, %dma_start3A_128] : memref<40x125xi32, #tpu.memory_space<vmem>> -> memref<1x125xi32, #tpu.memory_space<vmem>>
      %dma_start3A_130 = tpu.memref_squeeze %dma_start3A_129 : memref<1x125xi32, #tpu.memory_space<vmem>> -> memref<125xi32, #tpu.memory_space<vmem>>
      %dma_start3A_131 = arith.constant 0 : i32
      %dma_start3A_132 = arith.constant 0 : i32
      %dma_start3A_133 = tpu.memref_slice %arg6[%dma_start3A_131, %dma_start3A_132] : memref<10000x128xf32, #tpu.memory_space<vmem_shared>> -> memref<10000x128xf32, #tpu.memory_space<vmem_shared>>
      tpu.enqueue_indirect_dma source(%arg9 : memref<125x128xf32, #tpu.memory_space<vmem>>) target(%dma_start3A_133 : memref<10000x128xf32, #tpu.memory_space<vmem_shared>>) offsets(%dma_start3A_130 : memref<125xi32, #tpu.memory_space<vmem>>) semaphore(%arg13 : memref<!tpu.dma_semaphore, #tpu.memory_space<semaphore_mem>>) {add = true}
      %add3A_134 = arith.constant 2 : i32
      %add3A_135 = arith.addi %mul3A_121, %add3A_134 : i32
      %lt3A_136 = arith.constant 40 : i32
      %lt3A_137 = arith.cmpi slt, %add3A_135, %lt3A_136 : i32
      %convert_element_type3A_138 = arith.extui %lt3A_137 : i1 to i32
      %cond3A_139 = arith.constant 0 : i32
      %cond3A_140 = arith.cmpi ne, %convert_element_type3A_138, %cond3A_139 : i32
      scf.if %cond3A_140 {
        %dma_wait3A_164 = arith.constant 0 : i32
        %dma_wait3A_165 = tpu.memref_slice %arg8[%mul3A_121, %dma_wait3A_164] : memref<40x125xi32, #tpu.memory_space<vmem>> -> memref<1x125xi32, #tpu.memory_space<vmem>>
        %dma_wait3A_166 = tpu.memref_squeeze %dma_wait3A_165 : memref<1x125xi32, #tpu.memory_space<vmem>> -> memref<125xi32, #tpu.memory_space<vmem>>
        %dma_wait3A_167 = arith.constant 0 : i32
        %dma_wait3A_168 = arith.constant 0 : i32
        %dma_wait3A_169 = tpu.memref_slice %arg6[%dma_wait3A_167, %dma_wait3A_168] : memref<10000x128xf32, #tpu.memory_space<vmem_shared>> -> memref<10000x128xf32, #tpu.memory_space<vmem_shared>>
        tpu.wait_indirect_dma semaphore(%arg13 : memref<!tpu.dma_semaphore, #tpu.memory_space<semaphore_mem>>) src(%arg9 : memref<125x128xf32, #tpu.memory_space<vmem>>) dst(%dma_wait3A_169 : memref<10000x128xf32, #tpu.memory_space<vmem_shared>>)
        %add3A_170 = arith.constant 2 : i32
        %add3A_171 = arith.addi %mul3A_121, %add3A_170 : i32
        %dma_start3A_172 = arith.constant 0 : i32
        %dma_start3A_173 = tpu.memref_slice %arg7[%add3A_171, %dma_start3A_172] : memref<40x125xi32, #tpu.memory_space<vmem>> -> memref<1x125xi32, #tpu.memory_space<vmem>>
        %dma_start3A_174 = tpu.memref_squeeze %dma_start3A_173 : memref<1x125xi32, #tpu.memory_space<vmem>> -> memref<125xi32, #tpu.memory_space<vmem>>
        %dma_start3A_175 = arith.constant 0 : i32
        %dma_start3A_176 = arith.constant 0 : i32
        %dma_start3A_177 = tpu.memref_slice %arg2[%dma_start3A_175, %dma_start3A_176] : memref<10000x128xf32, #tpu.memory_space<hbm>> -> memref<10000x128xf32, #tpu.memory_space<hbm>>
        tpu.enqueue_indirect_dma source(%dma_start3A_177 : memref<10000x128xf32, #tpu.memory_space<hbm>>) target(%arg9 : memref<125x128xf32, #tpu.memory_space<vmem>>) offsets(%dma_start3A_174 : memref<125xi32, #tpu.memory_space<vmem>>) semaphore(%arg11 : memref<!tpu.dma_semaphore, #tpu.memory_space<semaphore_mem>>)
      } else {
      }
      %add3A_141 = arith.constant 1 : i32
      %add3A_142 = arith.addi %mul3A_121, %add3A_141 : i32
      %dma_wait3A_143 = arith.constant 0 : i32
      %dma_wait3A_144 = tpu.memref_slice %arg7[%add3A_142, %dma_wait3A_143] : memref<40x125xi32, #tpu.memory_space<vmem>> -> memref<1x125xi32, #tpu.memory_space<vmem>>
      %dma_wait3A_145 = tpu.memref_squeeze %dma_wait3A_144 : memref<1x125xi32, #tpu.memory_space<vmem>> -> memref<125xi32, #tpu.memory_space<vmem>>
      %dma_wait3A_146 = arith.constant 0 : i32
      %dma_wait3A_147 = arith.constant 0 : i32
      %dma_wait3A_148 = tpu.memref_slice %arg2[%dma_wait3A_146, %dma_wait3A_147] : memref<10000x128xf32, #tpu.memory_space<hbm>> -> memref<10000x128xf32, #tpu.memory_space<hbm>>
      tpu.wait_indirect_dma semaphore(%arg12 : memref<!tpu.dma_semaphore, #tpu.memory_space<semaphore_mem>>) src(%dma_wait3A_148 : memref<10000x128xf32, #tpu.memory_space<hbm>>) dst(%arg10 : memref<125x128xf32, #tpu.memory_space<vmem>>)
      %add3A_149 = arith.constant 1 : i32
      %add3A_150 = arith.addi %mul3A_121, %add3A_149 : i32
      %dma_start3A_151 = arith.constant 0 : i32
      %dma_start3A_152 = tpu.memref_slice %arg8[%add3A_150, %dma_start3A_151] : memref<40x125xi32, #tpu.memory_space<vmem>> -> memref<1x125xi32, #tpu.memory_space<vmem>>
      %dma_start3A_153 = tpu.memref_squeeze %dma_start3A_152 : memref<1x125xi32, #tpu.memory_space<vmem>> -> memref<125xi32, #tpu.memory_space<vmem>>
      %dma_start3A_154 = arith.constant 0 : i32
      %dma_start3A_155 = arith.constant 0 : i32
      %dma_start3A_156 = tpu.memref_slice %arg6[%dma_start3A_154, %dma_start3A_155] : memref<10000x128xf32, #tpu.memory_space<vmem_shared>> -> memref<10000x128xf32, #tpu.memory_space<vmem_shared>>
      tpu.enqueue_indirect_dma source(%arg10 : memref<125x128xf32, #tpu.memory_space<vmem>>) target(%dma_start3A_156 : memref<10000x128xf32, #tpu.memory_space<vmem_shared>>) offsets(%dma_start3A_153 : memref<125xi32, #tpu.memory_space<vmem>>) semaphore(%arg14 : memref<!tpu.dma_semaphore, #tpu.memory_space<semaphore_mem>>) {add = true}
      %add3A_157 = arith.constant 3 : i32
      %add3A_158 = arith.addi %mul3A_121, %add3A_157 : i32
      %lt3A_159 = arith.constant 40 : i32
      %lt3A_160 = arith.cmpi slt, %add3A_158, %lt3A_159 : i32
      %convert_element_type3A_161 = arith.extui %lt3A_160 : i1 to i32
      %cond3A_162 = arith.constant 0 : i32
      %cond3A_163 = arith.cmpi ne, %convert_element_type3A_161, %cond3A_162 : i32
      scf.if %cond3A_163 {
        %add3A_164 = arith.constant 1 : i32
        %add3A_165 = arith.addi %mul3A_121, %add3A_164 : i32
        %dma_wait3A_166 = arith.constant 0 : i32
        %dma_wait3A_167 = tpu.memref_slice %arg8[%add3A_165, %dma_wait3A_166] : memref<40x125xi32, #tpu.memory_space<vmem>> -> memref<1x125xi32, #tpu.memory_space<vmem>>
        %dma_wait3A_168 = tpu.memref_squeeze %dma_wait3A_167 : memref<1x125xi32, #tpu.memory_space<vmem>> -> memref<125xi32, #tpu.memory_space<vmem>>
        %dma_wait3A_169 = arith.constant 0 : i32
        %dma_wait3A_170 = arith.constant 0 : i32
        %dma_wait3A_171 = tpu.memref_slice %arg6[%dma_wait3A_169, %dma_wait3A_170] : memref<10000x128xf32, #tpu.memory_space<vmem_shared>> -> memref<10000x128xf32, #tpu.memory_space<vmem_shared>>
        tpu.wait_indirect_dma semaphore(%arg14 : memref<!tpu.dma_semaphore, #tpu.memory_space<semaphore_mem>>) src(%arg10 : memref<125x128xf32, #tpu.memory_space<vmem>>) dst(%dma_wait3A_171 : memref<10000x128xf32, #tpu.memory_space<vmem_shared>>)
        %add3A_172 = arith.constant 3 : i32
        %add3A_173 = arith.addi %mul3A_121, %add3A_172 : i32
        %dma_start3A_174 = arith.constant 0 : i32
        %dma_start3A_175 = tpu.memref_slice %arg7[%add3A_173, %dma_start3A_174] : memref<40x125xi32, #tpu.memory_space<vmem>> -> memref<1x125xi32, #tpu.memory_space<vmem>>
        %dma_start3A_176 = tpu.memref_squeeze %dma_start3A_175 : memref<1x125xi32, #tpu.memory_space<vmem>> -> memref<125xi32, #tpu.memory_space<vmem>>
        %dma_start3A_177 = arith.constant 0 : i32
        %dma_start3A_178 = arith.constant 0 : i32
        %dma_start3A_179 = tpu.memref_slice %arg2[%dma_start3A_177, %dma_start3A_178] : memref<10000x128xf32, #tpu.memory_space<hbm>> -> memref<10000x128xf32, #tpu.memory_space<hbm>>
        tpu.enqueue_indirect_dma source(%dma_start3A_179 : memref<10000x128xf32, #tpu.memory_space<hbm>>) target(%arg10 : memref<125x128xf32, #tpu.memory_space<vmem>>) offsets(%dma_start3A_176 : memref<125xi32, #tpu.memory_space<vmem>>) semaphore(%arg12 : memref<!tpu.dma_semaphore, #tpu.memory_space<semaphore_mem>>)
      } else {
      }
    }
    %scan3A_78 = arith.constant 20 : i32
    %dma_wait3A_79 = arith.constant 0 : i32
    %dma_wait3A_80 = arith.constant 0 : i32
    %dma_wait3A_81 = tpu.memref_slice %arg8[%dma_wait3A_79, %dma_wait3A_80] : memref<40x125xi32, #tpu.memory_space<vmem>> -> memref<1x125xi32, #tpu.memory_space<vmem>>
    %dma_wait3A_82 = tpu.memref_squeeze %dma_wait3A_81 : memref<1x125xi32, #tpu.memory_space<vmem>> -> memref<125xi32, #tpu.memory_space<vmem>>
    %dma_wait3A_83 = arith.constant 0 : i32
    %dma_wait3A_84 = arith.constant 0 : i32
    %dma_wait3A_85 = tpu.memref_slice %arg6[%dma_wait3A_83, %dma_wait3A_84] : memref<10000x128xf32, #tpu.memory_space<vmem_shared>> -> memref<10000x128xf32, #tpu.memory_space<vmem_shared>>
    tpu.wait_indirect_dma semaphore(%arg13 : memref<!tpu.dma_semaphore, #tpu.memory_space<semaphore_mem>>) src(%arg9 : memref<125x128xf32, #tpu.memory_space<vmem>>) dst(%dma_wait3A_85 : memref<10000x128xf32, #tpu.memory_space<vmem_shared>>)
    %dma_wait3A_86 = arith.constant 0 : i32
    %dma_wait3A_87 = arith.constant 0 : i32
    %dma_wait3A_88 = tpu.memref_slice %arg8[%dma_wait3A_86, %dma_wait3A_87] : memref<40x125xi32, #tpu.memory_space<vmem>> -> memref<1x125xi32, #tpu.memory_space<vmem>>
    %dma_wait3A_89 = tpu.memref_squeeze %dma_wait3A_88 : memref<1x125xi32, #tpu.memory_space<vmem>> -> memref<125xi32, #tpu.memory_space<vmem>>
    %dma_wait3A_90 = arith.constant 0 : i32
    %dma_wait3A_91 = arith.constant 0 : i32
    %dma_wait3A_92 = tpu.memref_slice %arg6[%dma_wait3A_90, %dma_wait3A_91] : memref<10000x128xf32, #tpu.memory_space<vmem_shared>> -> memref<10000x128xf32, #tpu.memory_space<vmem_shared>>
    tpu.wait_indirect_dma semaphore(%arg14 : memref<!tpu.dma_semaphore, #tpu.memory_space<semaphore_mem>>) src(%arg10 : memref<125x128xf32, #tpu.memory_space<vmem>>) dst(%dma_wait3A_92 : memref<10000x128xf32, #tpu.memory_space<vmem_shared>>)
    %barrier3A_93 = arith.constant 0 : index
    tpu.barrier barrier_id(%barrier3A_93)
    %mul3A_94 = arith.constant 400 : i32
    %mul3A_95 = arith.muli %arg1, %mul3A_94 : i32
    %mul3A_96 = arith.constant 400 : i32
    %mul3A_97 = arith.muli %arg1, %mul3A_96 : i32
    %dma_start3A_98 = arith.constant 0 : i32
    %dma_start3A_99 = tpu.memref_slice %arg5[%arg0, %mul3A_97, %dma_start3A_98] : memref<2x10000x128xf32, #tpu.memory_space<hbm>> -> memref<1x400x128xf32, #tpu.memory_space<hbm>>
    %dma_start3A_100 = tpu.memref_squeeze %dma_start3A_99 : memref<1x400x128xf32, #tpu.memory_space<hbm>> -> memref<400x128xf32, #tpu.memory_space<hbm>>
    %dma_start3A_101 = arith.constant 0 : i32
    %dma_start3A_102 = tpu.memref_slice %arg6[%mul3A_95, %dma_start3A_101] : memref<10000x128xf32, #tpu.memory_space<vmem_shared>> -> memref<400x128xf32, #tpu.memory_space<vmem_shared>>
    tpu.enqueue_dma source(%dma_start3A_102 : memref<400x128xf32, #tpu.memory_space<vmem_shared>>) target(%dma_start3A_100 : memref<400x128xf32, #tpu.memory_space<hbm>>) target_semaphore(%arg11 : memref<!tpu.dma_semaphore, #tpu.memory_space<semaphore_mem>>)
    %lt3A = arith.constant 9 : i32
    %lt3A_103 = arith.cmpi slt, %arg1, %lt3A : i32
    %convert_element_type3A = arith.extui %lt3A_103 : i1 to i32
    %cond3A = arith.constant 0 : i32
    %cond3A_104 = arith.cmpi ne, %convert_element_type3A, %cond3A : i32
    scf.if %cond3A_104 {
      %add3A_119 = arith.constant 16 : i32
      %add3A_120 = arith.addi %arg1, %add3A_119 : i32
      %mul3A_121 = arith.constant 400 : i32
      %mul3A_122 = arith.muli %add3A_120, %mul3A_121 : i32
      %add3A_123 = arith.constant 16 : i32
      %add3A_124 = arith.addi %arg1, %add3A_123 : i32
      %mul3A_125 = arith.constant 400 : i32
      %mul3A_126 = arith.muli %add3A_124, %mul3A_125 : i32
      %dma_start3A_127 = arith.constant 0 : i32
      %dma_start3A_128 = tpu.memref_slice %arg5[%arg0, %mul3A_126, %dma_start3A_127] : memref<2x10000x128xf32, #tpu.memory_space<hbm>> -> memref<1x400x128xf32, #tpu.memory_space<hbm>>
      %dma_start3A_129 = tpu.memref_squeeze %dma_start3A_128 : memref<1x400x128xf32, #tpu.memory_space<hbm>> -> memref<400x128xf32, #tpu.memory_space<hbm>>
      %dma_start3A_130 = arith.constant 0 : i32
      %dma_start3A_131 = tpu.memref_slice %arg6[%mul3A_122, %dma_start3A_130] : memref<10000x128xf32, #tpu.memory_space<vmem_shared>> -> memref<400x128xf32, #tpu.memory_space<vmem_shared>>
      tpu.enqueue_dma source(%dma_start3A_131 : memref<400x128xf32, #tpu.memory_space<vmem_shared>>) target(%dma_start3A_129 : memref<400x128xf32, #tpu.memory_space<hbm>>) target_semaphore(%arg12 : memref<!tpu.dma_semaphore, #tpu.memory_space<semaphore_mem>>)
    } else {
    }
    %mul3A_105 = arith.constant 400 : i32
    %mul3A_106 = arith.muli %arg1, %mul3A_105 : i32
    %mul3A_107 = arith.constant 400 : i32
    %mul3A_108 = arith.muli %arg1, %mul3A_107 : i32
    %dma_wait3A_109 = arith.constant 0 : i32
    %dma_wait3A_110 = tpu.memref_slice %arg5[%arg0, %mul3A_108, %dma_wait3A_109] : memref<2x10000x128xf32, #tpu.memory_space<hbm>> -> memref<1x400x128xf32, #tpu.memory_space<hbm>>
    %dma_wait3A_111 = tpu.memref_squeeze %dma_wait3A_110 : memref<1x400x128xf32, #tpu.memory_space<hbm>> -> memref<400x128xf32, #tpu.memory_space<hbm>>
    %dma_wait3A_112 = arith.constant 0 : i32
    %dma_wait3A_113 = tpu.memref_slice %arg6[%mul3A_106, %dma_wait3A_112] : memref<10000x128xf32, #tpu.memory_space<vmem_shared>> -> memref<400x128xf32, #tpu.memory_space<vmem_shared>>
    tpu.wait_dma2 semaphore(%arg11 : memref<!tpu.dma_semaphore, #tpu.memory_space<semaphore_mem>>) src(%dma_wait3A_113 : memref<400x128xf32, #tpu.memory_space<vmem_shared>>) dst(%dma_wait3A_111 : memref<400x128xf32, #tpu.memory_space<hbm>>)
    %lt3A_114 = arith.constant 9 : i32
    %lt3A_115 = arith.cmpi slt, %arg1, %lt3A_114 : i32
    %convert_element_type3A_116 = arith.extui %lt3A_115 : i1 to i32
    %cond3A_117 = arith.constant 0 : i32
    %cond3A_118 = arith.cmpi ne, %convert_element_type3A_116, %cond3A_117 : i32
    scf.if %cond3A_118 {
      %add3A_119 = arith.constant 16 : i32
      %add3A_120 = arith.addi %arg1, %add3A_119 : i32
      %mul3A_121 = arith.constant 400 : i32
      %mul3A_122 = arith.muli %add3A_120, %mul3A_121 : i32
      %add3A_123 = arith.constant 16 : i32
      %add3A_124 = arith.addi %arg1, %add3A_123 : i32
      %mul3A_125 = arith.constant 400 : i32
      %mul3A_126 = arith.muli %add3A_124, %mul3A_125 : i32
      %dma_wait3A_127 = arith.constant 0 : i32
      %dma_wait3A_128 = tpu.memref_slice %arg5[%arg0, %mul3A_126, %dma_wait3A_127] : memref<2x10000x128xf32, #tpu.memory_space<hbm>> -> memref<1x400x128xf32, #tpu.memory_space<hbm>>
      %dma_wait3A_129 = tpu.memref_squeeze %dma_wait3A_128 : memref<1x400x128xf32, #tpu.memory_space<hbm>> -> memref<400x128xf32, #tpu.memory_space<hbm>>
      %dma_wait3A_130 = arith.constant 0 : i32
      %dma_wait3A_131 = tpu.memref_slice %arg6[%mul3A_122, %dma_wait3A_130] : memref<10000x128xf32, #tpu.memory_space<vmem_shared>> -> memref<400x128xf32, #tpu.memory_space<vmem_shared>>
      tpu.wait_dma2 semaphore(%arg12 : memref<!tpu.dma_semaphore, #tpu.memory_space<semaphore_mem>>) src(%dma_wait3A_131 : memref<400x128xf32, #tpu.memory_space<vmem_shared>>) dst(%dma_wait3A_129 : memref<400x128xf32, #tpu.memory_space<hbm>>)
    } else {
    }
    return
  }
}

#map = affine_map<(d0, d1) -> (0, 0)>
#map1 = affine_map<(d0, d1) -> (0, 0, 0)>
module attributes {stable_mosaic.version = 14 : i64} {
  func.func @_seg_sum_body(%arg0: i32, %arg1: i32, %arg2: memref<10000x128xf32, #tpu.memory_space<hbm>>, %arg3: memref<32x80x125xi32, #tpu.memory_space<hbm>>, %arg4: memref<32x80x125xi32, #tpu.memory_space<hbm>>, %arg5: memref<2x10000x128xf32, #tpu.memory_space<hbm>>, %arg6: memref<10000x128xf32, #tpu.memory_space<vmem_shared>>, %arg7: memref<40x125xi32, #tpu.memory_space<vmem>>, %arg8: memref<40x125xi32, #tpu.memory_space<vmem>>, %arg9: memref<125x128xf32, #tpu.memory_space<vmem>>, %arg10: memref<125x128xf32, #tpu.memory_space<vmem>>, %arg11: memref<!tpu.dma_semaphore, #tpu.memory_space<semaphore_mem>>, %arg12: memref<!tpu.dma_semaphore, #tpu.memory_space<semaphore_mem>>, %arg13: memref<!tpu.dma_semaphore, #tpu.memory_space<semaphore_mem>>, %arg14: memref<!tpu.dma_semaphore, #tpu.memory_space<semaphore_mem>>) attributes {dimension_semantics = [#tpu.dimension_semantics<core_parallel>, #tpu.dimension_semantics<subcore_parallel>], iteration_bounds = array<i64: 2, 16>, scalar_prefetch = 0 : i64, scratch_operands = 9 : i64, tpu.core_type = #tpu.core_type<sc_vector_subcore>, window_params = [{transform_indices = #map}, {transform_indices = #map1}, {transform_indices = #map1}, {transform_indices = #map1}]} {
    %mul3A = arith.constant 16 : i32
    %mul3A_0 = arith.muli %arg0, %mul3A : i32
    %add3A = arith.addi %mul3A_0, %arg1 : i32
    %broadcast_in_dim3A = arith.constant 0.000000e+00 : f32
    %broadcast_in_dim3A_1 = vector.broadcast %broadcast_in_dim3A : f32 to vector<16xf32>
    %scan3A = arith.constant 0 : i32
    %scan3A_2 = arith.constant 0 : i32
    %scan3A_3 = arith.constant 1000 : i32
    %scan3A_4 = arith.addi %scan3A_2, %scan3A_3 : i32
    %scan3A_5 = arith.constant 1 : i32
    scf.for %scan3A_119 = %scan3A_2 to %scan3A_4 step %scan3A_5  : i32 {
      %jit3A = arith.constant 8 : i32
      %div3A = arith.divsi %scan3A_119, %jit3A : i32
      %sign3A = arith.constant 0 : i32
      %sign3A_120 = arith.cmpi sgt, %scan3A_119, %sign3A : i32
      %sign3A_121 = arith.extui %sign3A_120 : i1 to i32
      %sign3A_122 = arith.constant 0 : i32
      %sign3A_123 = arith.cmpi slt, %scan3A_119, %sign3A_122 : i32
      %sign3A_124 = arith.extui %sign3A_123 : i1 to i32
      %sign3A_125 = arith.subi %sign3A_121, %sign3A_124 : i32
      %sign3A_126 = arith.constant 0 : i32
      %sign3A_127 = arith.cmpi sgt, %jit3A, %sign3A_126 : i32
      %sign3A_128 = arith.extui %sign3A_127 : i1 to i32
      %sign3A_129 = arith.constant 0 : i32
      %sign3A_130 = arith.cmpi slt, %jit3A, %sign3A_129 : i32
      %sign3A_131 = arith.extui %sign3A_130 : i1 to i32
      %sign3A_132 = arith.subi %sign3A_128, %sign3A_131 : i32
      %ne3A = arith.cmpi ne, %sign3A_125, %sign3A_132 : i32
      %rem3A = arith.remsi %scan3A_119, %jit3A : i32
      %ne3A_133 = arith.constant 0 : i32
      %ne3A_134 = arith.cmpi ne, %rem3A, %ne3A_133 : i32
      %and3A = arith.andi %ne3A, %ne3A_134 : i1
      %sub3A = arith.constant 1 : i32
      %sub3A_135 = arith.subi %div3A, %sub3A : i32
      %select_n3A = arith.select %and3A, %sub3A_135, %div3A : i32
      %jit3A_136 = arith.constant 8 : i32
      %eq3A = arith.constant 0 : i32
      %eq3A_137 = arith.cmpi eq, %jit3A_136, %eq3A : i32
      %jit3A_138 = arith.constant 1 : i32
      %select_n3A_139 = arith.select %eq3A_137, %jit3A_138, %jit3A_136 : i32
      %rem3A_140 = arith.remsi %scan3A_119, %select_n3A_139 : i32
      %ne3A_141 = arith.constant 0 : i32
      %ne3A_142 = arith.cmpi ne, %rem3A_140, %ne3A_141 : i32
      %lt3A_143 = arith.constant 0 : i32
      %lt3A_144 = arith.cmpi slt, %rem3A_140, %lt3A_143 : i32
      %lt3A_145 = arith.constant 0 : i32
      %lt3A_146 = arith.cmpi slt, %select_n3A_139, %lt3A_145 : i32
      %ne3A_147 = arith.xori %lt3A_144, %lt3A_146 : i1
      %and3A_148 = arith.andi %ne3A_147, %ne3A_142 : i1
      %add3A_149 = arith.addi %rem3A_140, %select_n3A_139 : i32
      %select_n3A_150 = arith.select %and3A_148, %add3A_149, %rem3A_140 : i32
      %mul3A_151 = arith.constant 16 : i32
      %mul3A_152 = arith.muli %select_n3A_150, %mul3A_151 : i32
      %swap3A = arith.index_cast %select_n3A : i32 to index
      %swap3A_153 = arith.index_cast %mul3A_152 : i32 to index
      %swap3A_154 = tpu.vector_load %arg9[%swap3A, %swap3A_153] {strides = array<i32>} : memref<125x128xf32, #tpu.memory_space<vmem>>, vector<1x16xf32>,
      %swap3A_155 = vector.shape_cast %swap3A_154 : vector<1x16xf32> to vector<16xf32>
      %swap3A_156 = vector.shape_cast %broadcast_in_dim3A_1 : vector<16xf32> to vector<1x16xf32>
      tpu.vector_store %arg9[%swap3A, %swap3A_153], %swap3A_156 {strides = array<i32>} : memref<125x128xf32, #tpu.memory_space<vmem>>, vector<1x16xf32>,
    }
    %scan3A_6 = arith.constant 1000 : i32
    %mul3A_7 = arith.constant 625 : i32
    %mul3A_8 = arith.muli %arg1, %mul3A_7 : i32
    %add3A_9 = arith.constant 0 : i32
    %add3A_10 = arith.addi %mul3A_8, %add3A_9 : i32
    "tpu.region"() ({
      %run_scoped3A = tpu.sem_alloc : memref<!tpu.dma_semaphore, #tpu.memory_space<semaphore_mem>>
      %dma_start3A_119 = arith.constant 0 : i32
      %dma_start3A_120 = tpu.memref_slice %arg6[%add3A_10, %dma_start3A_119] : memref<10000x128xf32, #tpu.memory_space<vmem_shared>> -> memref<125x128xf32, #tpu.memory_space<vmem_shared>>
      %dma_start3A_121 = arith.constant 0 : i32
      %dma_start3A_122 = tpu.memref_slice %arg6[%add3A_10, %dma_start3A_121] : memref<10000x128xf32, #tpu.memory_space<vmem_shared>> -> memref<125x128xf32, #tpu.memory_space<vmem_shared>>
      tpu.enqueue_dma source(%arg9 : memref<125x128xf32, #tpu.memory_space<vmem>>) target(%dma_start3A_122 : memref<125x128xf32, #tpu.memory_space<vmem_shared>>) target_semaphore(%run_scoped3A : memref<!tpu.dma_semaphore, #tpu.memory_space<semaphore_mem>>)
      %dma_wait3A_123 = arith.constant 0 : i32
      %dma_wait3A_124 = tpu.memref_slice %arg6[%add3A_10, %dma_wait3A_123] : memref<10000x128xf32, #tpu.memory_space<vmem_shared>> -> memref<125x128xf32, #tpu.memory_space<vmem_shared>>
      %dma_wait3A_125 = arith.constant 0 : i32
      %dma_wait3A_126 = tpu.memref_slice %arg6[%add3A_10, %dma_wait3A_125] : memref<10000x128xf32, #tpu.memory_space<vmem_shared>> -> memref<125x128xf32, #tpu.memory_space<vmem_shared>>
      tpu.wait_dma2 semaphore(%run_scoped3A : memref<!tpu.dma_semaphore, #tpu.memory_space<semaphore_mem>>) src(%arg9 : memref<125x128xf32, #tpu.memory_space<vmem>>) dst(%dma_wait3A_126 : memref<125x128xf32, #tpu.memory_space<vmem_shared>>)
      tpu.yield
    }) : () -> ()
    %mul3A_11 = arith.constant 625 : i32
    %mul3A_12 = arith.muli %arg1, %mul3A_11 : i32
    %add3A_13 = arith.constant 125 : i32
    %add3A_14 = arith.addi %mul3A_12, %add3A_13 : i32
    "tpu.region"() ({
      %run_scoped3A = tpu.sem_alloc : memref<!tpu.dma_semaphore, #tpu.memory_space<semaphore_mem>>
      %dma_start3A_119 = arith.constant 0 : i32
      %dma_start3A_120 = tpu.memref_slice %arg6[%add3A_14, %dma_start3A_119] : memref<10000x128xf32, #tpu.memory_space<vmem_shared>> -> memref<125x128xf32, #tpu.memory_space<vmem_shared>>
      %dma_start3A_121 = arith.constant 0 : i32
      %dma_start3A_122 = tpu.memref_slice %arg6[%add3A_14, %dma_start3A_121] : memref<10000x128xf32, #tpu.memory_space<vmem_shared>> -> memref<125x128xf32, #tpu.memory_space<vmem_shared>>
      tpu.enqueue_dma source(%arg9 : memref<125x128xf32, #tpu.memory_space<vmem>>) target(%dma_start3A_122 : memref<125x128xf32, #tpu.memory_space<vmem_shared>>) target_semaphore(%run_scoped3A : memref<!tpu.dma_semaphore, #tpu.memory_space<semaphore_mem>>)
      %dma_wait3A_123 = arith.constant 0 : i32
      %dma_wait3A_124 = tpu.memref_slice %arg6[%add3A_14, %dma_wait3A_123] : memref<10000x128xf32, #tpu.memory_space<vmem_shared>> -> memref<125x128xf32, #tpu.memory_space<vmem_shared>>
      %dma_wait3A_125 = arith.constant 0 : i32
      %dma_wait3A_126 = tpu.memref_slice %arg6[%add3A_14, %dma_wait3A_125] : memref<10000x128xf32, #tpu.memory_space<vmem_shared>> -> memref<125x128xf32, #tpu.memory_space<vmem_shared>>
      tpu.wait_dma2 semaphore(%run_scoped3A : memref<!tpu.dma_semaphore, #tpu.memory_space<semaphore_mem>>) src(%arg9 : memref<125x128xf32, #tpu.memory_space<vmem>>) dst(%dma_wait3A_126 : memref<125x128xf32, #tpu.memory_space<vmem_shared>>)
      tpu.yield
    }) : () -> ()
    %mul3A_15 = arith.constant 625 : i32
    %mul3A_16 = arith.muli %arg1, %mul3A_15 : i32
    %add3A_17 = arith.constant 250 : i32
    %add3A_18 = arith.addi %mul3A_16, %add3A_17 : i32
    "tpu.region"() ({
      %run_scoped3A = tpu.sem_alloc : memref<!tpu.dma_semaphore, #tpu.memory_space<semaphore_mem>>
      %dma_start3A_119 = arith.constant 0 : i32
      %dma_start3A_120 = tpu.memref_slice %arg6[%add3A_18, %dma_start3A_119] : memref<10000x128xf32, #tpu.memory_space<vmem_shared>> -> memref<125x128xf32, #tpu.memory_space<vmem_shared>>
      %dma_start3A_121 = arith.constant 0 : i32
      %dma_start3A_122 = tpu.memref_slice %arg6[%add3A_18, %dma_start3A_121] : memref<10000x128xf32, #tpu.memory_space<vmem_shared>> -> memref<125x128xf32, #tpu.memory_space<vmem_shared>>
      tpu.enqueue_dma source(%arg9 : memref<125x128xf32, #tpu.memory_space<vmem>>) target(%dma_start3A_122 : memref<125x128xf32, #tpu.memory_space<vmem_shared>>) target_semaphore(%run_scoped3A : memref<!tpu.dma_semaphore, #tpu.memory_space<semaphore_mem>>)
      %dma_wait3A_123 = arith.constant 0 : i32
      %dma_wait3A_124 = tpu.memref_slice %arg6[%add3A_18, %dma_wait3A_123] : memref<10000x128xf32, #tpu.memory_space<vmem_shared>> -> memref<125x128xf32, #tpu.memory_space<vmem_shared>>
      %dma_wait3A_125 = arith.constant 0 : i32
      %dma_wait3A_126 = tpu.memref_slice %arg6[%add3A_18, %dma_wait3A_125] : memref<10000x128xf32, #tpu.memory_space<vmem_shared>> -> memref<125x128xf32, #tpu.memory_space<vmem_shared>>
      tpu.wait_dma2 semaphore(%run_scoped3A : memref<!tpu.dma_semaphore, #tpu.memory_space<semaphore_mem>>) src(%arg9 : memref<125x128xf32, #tpu.memory_space<vmem>>) dst(%dma_wait3A_126 : memref<125x128xf32, #tpu.memory_space<vmem_shared>>)
      tpu.yield
    }) : () -> ()
    %mul3A_19 = arith.constant 625 : i32
    %mul3A_20 = arith.muli %arg1, %mul3A_19 : i32
    %add3A_21 = arith.constant 375 : i32
    %add3A_22 = arith.addi %mul3A_20, %add3A_21 : i32
    "tpu.region"() ({
      %run_scoped3A = tpu.sem_alloc : memref<!tpu.dma_semaphore, #tpu.memory_space<semaphore_mem>>
      %dma_start3A_119 = arith.constant 0 : i32
      %dma_start3A_120 = tpu.memref_slice %arg6[%add3A_22, %dma_start3A_119] : memref<10000x128xf32, #tpu.memory_space<vmem_shared>> -> memref<125x128xf32, #tpu.memory_space<vmem_shared>>
      %dma_start3A_121 = arith.constant 0 : i32
      %dma_start3A_122 = tpu.memref_slice %arg6[%add3A_22, %dma_start3A_121] : memref<10000x128xf32, #tpu.memory_space<vmem_shared>> -> memref<125x128xf32, #tpu.memory_space<vmem_shared>>
      tpu.enqueue_dma source(%arg9 : memref<125x128xf32, #tpu.memory_space<vmem>>) target(%dma_start3A_122 : memref<125x128xf32, #tpu.memory_space<vmem_shared>>) target_semaphore(%run_scoped3A : memref<!tpu.dma_semaphore, #tpu.memory_space<semaphore_mem>>)
      %dma_wait3A_123 = arith.constant 0 : i32
      %dma_wait3A_124 = tpu.memref_slice %arg6[%add3A_22, %dma_wait3A_123] : memref<10000x128xf32, #tpu.memory_space<vmem_shared>> -> memref<125x128xf32, #tpu.memory_space<vmem_shared>>
      %dma_wait3A_125 = arith.constant 0 : i32
      %dma_wait3A_126 = tpu.memref_slice %arg6[%add3A_22, %dma_wait3A_125] : memref<10000x128xf32, #tpu.memory_space<vmem_shared>> -> memref<125x128xf32, #tpu.memory_space<vmem_shared>>
      tpu.wait_dma2 semaphore(%run_scoped3A : memref<!tpu.dma_semaphore, #tpu.memory_space<semaphore_mem>>) src(%arg9 : memref<125x128xf32, #tpu.memory_space<vmem>>) dst(%dma_wait3A_126 : memref<125x128xf32, #tpu.memory_space<vmem_shared>>)
      tpu.yield
    }) : () -> ()
    %mul3A_23 = arith.constant 625 : i32
    %mul3A_24 = arith.muli %arg1, %mul3A_23 : i32
    %add3A_25 = arith.constant 500 : i32
    %add3A_26 = arith.addi %mul3A_24, %add3A_25 : i32
    "tpu.region"() ({
      %run_scoped3A = tpu.sem_alloc : memref<!tpu.dma_semaphore, #tpu.memory_space<semaphore_mem>>
      %dma_start3A_119 = arith.constant 0 : i32
      %dma_start3A_120 = tpu.memref_slice %arg6[%add3A_26, %dma_start3A_119] : memref<10000x128xf32, #tpu.memory_space<vmem_shared>> -> memref<125x128xf32, #tpu.memory_space<vmem_shared>>
      %dma_start3A_121 = arith.constant 0 : i32
      %dma_start3A_122 = tpu.memref_slice %arg6[%add3A_26, %dma_start3A_121] : memref<10000x128xf32, #tpu.memory_space<vmem_shared>> -> memref<125x128xf32, #tpu.memory_space<vmem_shared>>
      tpu.enqueue_dma source(%arg9 : memref<125x128xf32, #tpu.memory_space<vmem>>) target(%dma_start3A_122 : memref<125x128xf32, #tpu.memory_space<vmem_shared>>) target_semaphore(%run_scoped3A : memref<!tpu.dma_semaphore, #tpu.memory_space<semaphore_mem>>)
      %dma_wait3A_123 = arith.constant 0 : i32
      %dma_wait3A_124 = tpu.memref_slice %arg6[%add3A_26, %dma_wait3A_123] : memref<10000x128xf32, #tpu.memory_space<vmem_shared>> -> memref<125x128xf32, #tpu.memory_space<vmem_shared>>
      %dma_wait3A_125 = arith.constant 0 : i32
      %dma_wait3A_126 = tpu.memref_slice %arg6[%add3A_26, %dma_wait3A_125] : memref<10000x128xf32, #tpu.memory_space<vmem_shared>> -> memref<125x128xf32, #tpu.memory_space<vmem_shared>>
      tpu.wait_dma2 semaphore(%run_scoped3A : memref<!tpu.dma_semaphore, #tpu.memory_space<semaphore_mem>>) src(%arg9 : memref<125x128xf32, #tpu.memory_space<vmem>>) dst(%dma_wait3A_126 : memref<125x128xf32, #tpu.memory_space<vmem_shared>>)
      tpu.yield
    }) : () -> ()
    %barrier3A = arith.constant 0 : index
    tpu.barrier barrier_id(%barrier3A)
    "tpu.region"() ({
      %run_scoped3A = tpu.sem_alloc : memref<!tpu.dma_semaphore, #tpu.memory_space<semaphore_mem>>
      %dma_start3A_119 = arith.constant 0 : i32
      %dma_start3A_120 = arith.constant 0 : i32
      %dma_start3A_121 = tpu.memref_slice %arg3[%add3A, %dma_start3A_119, %dma_start3A_120] : memref<32x80x125xi32, #tpu.memory_space<hbm>> -> memref<1x40x125xi32, #tpu.memory_space<hbm>>
      %dma_start3A_122 = tpu.memref_squeeze %dma_start3A_121 : memref<1x40x125xi32, #tpu.memory_space<hbm>> -> memref<40x125xi32, #tpu.memory_space<hbm>>
      %dma_start3A_123 = arith.constant 0 : i32
      %dma_start3A_124 = arith.constant 0 : i32
      %dma_start3A_125 = tpu.memref_slice %arg3[%add3A, %dma_start3A_123, %dma_start3A_124] : memref<32x80x125xi32, #tpu.memory_space<hbm>> -> memref<1x40x125xi32, #tpu.memory_space<hbm>>
      %dma_start3A_126 = tpu.memref_squeeze %dma_start3A_125 : memref<1x40x125xi32, #tpu.memory_space<hbm>> -> memref<40x125xi32, #tpu.memory_space<hbm>>
      tpu.enqueue_dma source(%dma_start3A_126 : memref<40x125xi32, #tpu.memory_space<hbm>>) target(%arg7 : memref<40x125xi32, #tpu.memory_space<vmem>>) target_semaphore(%run_scoped3A : memref<!tpu.dma_semaphore, #tpu.memory_space<semaphore_mem>>)
      %dma_wait3A_127 = arith.constant 0 : i32
      %dma_wait3A_128 = arith.constant 0 : i32
      %dma_wait3A_129 = tpu.memref_slice %arg3[%add3A, %dma_wait3A_127, %dma_wait3A_128] : memref<32x80x125xi32, #tpu.memory_space<hbm>> -> memref<1x40x125xi32, #tpu.memory_space<hbm>>
      %dma_wait3A_130 = tpu.memref_squeeze %dma_wait3A_129 : memref<1x40x125xi32, #tpu.memory_space<hbm>> -> memref<40x125xi32, #tpu.memory_space<hbm>>
      %dma_wait3A_131 = arith.constant 0 : i32
      %dma_wait3A_132 = arith.constant 0 : i32
      %dma_wait3A_133 = tpu.memref_slice %arg3[%add3A, %dma_wait3A_131, %dma_wait3A_132] : memref<32x80x125xi32, #tpu.memory_space<hbm>> -> memref<1x40x125xi32, #tpu.memory_space<hbm>>
      %dma_wait3A_134 = tpu.memref_squeeze %dma_wait3A_133 : memref<1x40x125xi32, #tpu.memory_space<hbm>> -> memref<40x125xi32, #tpu.memory_space<hbm>>
      tpu.wait_dma2 semaphore(%run_scoped3A : memref<!tpu.dma_semaphore, #tpu.memory_space<semaphore_mem>>) src(%dma_wait3A_134 : memref<40x125xi32, #tpu.memory_space<hbm>>) dst(%arg7 : memref<40x125xi32, #tpu.memory_space<vmem>>)
      tpu.yield
    }) : () -> ()
    "tpu.region"() ({
      %run_scoped3A = tpu.sem_alloc : memref<!tpu.dma_semaphore, #tpu.memory_space<semaphore_mem>>
      %dma_start3A_119 = arith.constant 0 : i32
      %dma_start3A_120 = arith.constant 0 : i32
      %dma_start3A_121 = tpu.memref_slice %arg4[%add3A, %dma_start3A_119, %dma_start3A_120] : memref<32x80x125xi32, #tpu.memory_space<hbm>> -> memref<1x40x125xi32, #tpu.memory_space<hbm>>
      %dma_start3A_122 = tpu.memref_squeeze %dma_start3A_121 : memref<1x40x125xi32, #tpu.memory_space<hbm>> -> memref<40x125xi32, #tpu.memory_space<hbm>>
      %dma_start3A_123 = arith.constant 0 : i32
      %dma_start3A_124 = arith.constant 0 : i32
      %dma_start3A_125 = tpu.memref_slice %arg4[%add3A, %dma_start3A_123, %dma_start3A_124] : memref<32x80x125xi32, #tpu.memory_space<hbm>> -> memref<1x40x125xi32, #tpu.memory_space<hbm>>
      %dma_start3A_126 = tpu.memref_squeeze %dma_start3A_125 : memref<1x40x125xi32, #tpu.memory_space<hbm>> -> memref<40x125xi32, #tpu.memory_space<hbm>>
      tpu.enqueue_dma source(%dma_start3A_126 : memref<40x125xi32, #tpu.memory_space<hbm>>) target(%arg8 : memref<40x125xi32, #tpu.memory_space<vmem>>) target_semaphore(%run_scoped3A : memref<!tpu.dma_semaphore, #tpu.memory_space<semaphore_mem>>)
      %dma_wait3A_127 = arith.constant 0 : i32
      %dma_wait3A_128 = arith.constant 0 : i32
      %dma_wait3A_129 = tpu.memref_slice %arg4[%add3A, %dma_wait3A_127, %dma_wait3A_128] : memref<32x80x125xi32, #tpu.memory_space<hbm>> -> memref<1x40x125xi32, #tpu.memory_space<hbm>>
      %dma_wait3A_130 = tpu.memref_squeeze %dma_wait3A_129 : memref<1x40x125xi32, #tpu.memory_space<hbm>> -> memref<40x125xi32, #tpu.memory_space<hbm>>
      %dma_wait3A_131 = arith.constant 0 : i32
      %dma_wait3A_132 = arith.constant 0 : i32
      %dma_wait3A_133 = tpu.memref_slice %arg4[%add3A, %dma_wait3A_131, %dma_wait3A_132] : memref<32x80x125xi32, #tpu.memory_space<hbm>> -> memref<1x40x125xi32, #tpu.memory_space<hbm>>
      %dma_wait3A_134 = tpu.memref_squeeze %dma_wait3A_133 : memref<1x40x125xi32, #tpu.memory_space<hbm>> -> memref<40x125xi32, #tpu.memory_space<hbm>>
      tpu.wait_dma2 semaphore(%run_scoped3A : memref<!tpu.dma_semaphore, #tpu.memory_space<semaphore_mem>>) src(%dma_wait3A_134 : memref<40x125xi32, #tpu.memory_space<hbm>>) dst(%arg8 : memref<40x125xi32, #tpu.memory_space<vmem>>)
      tpu.yield
    }) : () -> ()
    %dma_start3A = arith.constant 0 : i32
    %dma_start3A_27 = arith.constant 0 : i32
    %dma_start3A_28 = tpu.memref_slice %arg7[%dma_start3A, %dma_start3A_27] : memref<40x125xi32, #tpu.memory_space<vmem>> -> memref<1x125xi32, #tpu.memory_space<vmem>>
    %dma_start3A_29 = tpu.memref_squeeze %dma_start3A_28 : memref<1x125xi32, #tpu.memory_space<vmem>> -> memref<125xi32, #tpu.memory_space<vmem>>
    %dma_start3A_30 = arith.constant 0 : i32
    %dma_start3A_31 = arith.constant 0 : i32
    %dma_start3A_32 = tpu.memref_slice %arg2[%dma_start3A_30, %dma_start3A_31] : memref<10000x128xf32, #tpu.memory_space<hbm>> -> memref<10000x128xf32, #tpu.memory_space<hbm>>
    tpu.enqueue_indirect_dma source(%dma_start3A_32 : memref<10000x128xf32, #tpu.memory_space<hbm>>) target(%arg9 : memref<125x128xf32, #tpu.memory_space<vmem>>) offsets(%dma_start3A_29 : memref<125xi32, #tpu.memory_space<vmem>>) semaphore(%arg11 : memref<!tpu.dma_semaphore, #tpu.memory_space<semaphore_mem>>)
    %dma_start3A_33 = arith.constant 1 : i32
    %dma_start3A_34 = arith.constant 0 : i32
    %dma_start3A_35 = tpu.memref_slice %arg7[%dma_start3A_33, %dma_start3A_34] : memref<40x125xi32, #tpu.memory_space<vmem>> -> memref<1x125xi32, #tpu.memory_space<vmem>>
    %dma_start3A_36 = tpu.memref_squeeze %dma_start3A_35 : memref<1x125xi32, #tpu.memory_space<vmem>> -> memref<125xi32, #tpu.memory_space<vmem>>
    %dma_start3A_37 = arith.constant 0 : i32
    %dma_start3A_38 = arith.constant 0 : i32
    %dma_start3A_39 = tpu.memref_slice %arg2[%dma_start3A_37, %dma_start3A_38] : memref<10000x128xf32, #tpu.memory_space<hbm>> -> memref<10000x128xf32, #tpu.memory_space<hbm>>
    tpu.enqueue_indirect_dma source(%dma_start3A_39 : memref<10000x128xf32, #tpu.memory_space<hbm>>) target(%arg10 : memref<125x128xf32, #tpu.memory_space<vmem>>) offsets(%dma_start3A_36 : memref<125xi32, #tpu.memory_space<vmem>>) semaphore(%arg12 : memref<!tpu.dma_semaphore, #tpu.memory_space<semaphore_mem>>)
    %scan3A_40 = arith.constant 0 : i32
    %scan3A_41 = arith.constant 0 : i32
    %scan3A_42 = arith.constant 20 : i32
    %scan3A_43 = arith.addi %scan3A_41, %scan3A_42 : i32
    %scan3A_44 = arith.constant 1 : i32
    scf.for %scan3A_119 = %scan3A_41 to %scan3A_43 step %scan3A_44  : i32 {
      %mul3A_120 = arith.constant 2 : i32
      %mul3A_121 = arith.muli %scan3A_119, %mul3A_120 : i32
      %dma_wait3A_122 = arith.constant 0 : i32
      %dma_wait3A_123 = tpu.memref_slice %arg7[%mul3A_121, %dma_wait3A_122] : memref<40x125xi32, #tpu.memory_space<vmem>> -> memref<1x125xi32, #tpu.memory_space<vmem>>
      %dma_wait3A_124 = tpu.memref_squeeze %dma_wait3A_123 : memref<1x125xi32, #tpu.memory_space<vmem>> -> memref<125xi32, #tpu.memory_space<vmem>>
      %dma_wait3A_125 = arith.constant 0 : i32
      %dma_wait3A_126 = arith.constant 0 : i32
      %dma_wait3A_127 = tpu.memref_slice %arg2[%dma_wait3A_125, %dma_wait3A_126] : memref<10000x128xf32, #tpu.memory_space<hbm>> -> memref<10000x128xf32, #tpu.memory_space<hbm>>
      tpu.wait_indirect_dma semaphore(%arg11 : memref<!tpu.dma_semaphore, #tpu.memory_space<semaphore_mem>>) src(%dma_wait3A_127 : memref<10000x128xf32, #tpu.memory_space<hbm>>) dst(%arg9 : memref<125x128xf32, #tpu.memory_space<vmem>>)
      %dma_start3A_128 = arith.constant 0 : i32
      %dma_start3A_129 = tpu.memref_slice %arg8[%mul3A_121, %dma_start3A_128] : memref<40x125xi32, #tpu.memory_space<vmem>> -> memref<1x125xi32, #tpu.memory_space<vmem>>
      %dma_start3A_130 = tpu.memref_squeeze %dma_start3A_129 : memref<1x125xi32, #tpu.memory_space<vmem>> -> memref<125xi32, #tpu.memory_space<vmem>>
      %dma_start3A_131 = arith.constant 0 : i32
      %dma_start3A_132 = arith.constant 0 : i32
      %dma_start3A_133 = tpu.memref_slice %arg6[%dma_start3A_131, %dma_start3A_132] : memref<10000x128xf32, #tpu.memory_space<vmem_shared>> -> memref<10000x128xf32, #tpu.memory_space<vmem_shared>>
      tpu.enqueue_indirect_dma source(%arg9 : memref<125x128xf32, #tpu.memory_space<vmem>>) target(%dma_start3A_133 : memref<10000x128xf32, #tpu.memory_space<vmem_shared>>) offsets(%dma_start3A_130 : memref<125xi32, #tpu.memory_space<vmem>>) semaphore(%arg13 : memref<!tpu.dma_semaphore, #tpu.memory_space<semaphore_mem>>) {add = true}
      %add3A_134 = arith.constant 2 : i32
      %add3A_135 = arith.addi %mul3A_121, %add3A_134 : i32
      %lt3A_136 = arith.constant 40 : i32
      %lt3A_137 = arith.cmpi slt, %add3A_135, %lt3A_136 : i32
      %convert_element_type3A_138 = arith.extui %lt3A_137 : i1 to i32
      %cond3A_139 = arith.constant 0 : i32
      %cond3A_140 = arith.cmpi ne, %convert_element_type3A_138, %cond3A_139 : i32
      scf.if %cond3A_140 {
        %dma_wait3A_164 = arith.constant 0 : i32
        %dma_wait3A_165 = tpu.memref_slice %arg8[%mul3A_121, %dma_wait3A_164] : memref<40x125xi32, #tpu.memory_space<vmem>> -> memref<1x125xi32, #tpu.memory_space<vmem>>
        %dma_wait3A_166 = tpu.memref_squeeze %dma_wait3A_165 : memref<1x125xi32, #tpu.memory_space<vmem>> -> memref<125xi32, #tpu.memory_space<vmem>>
        %dma_wait3A_167 = arith.constant 0 : i32
        %dma_wait3A_168 = arith.constant 0 : i32
        %dma_wait3A_169 = tpu.memref_slice %arg6[%dma_wait3A_167, %dma_wait3A_168] : memref<10000x128xf32, #tpu.memory_space<vmem_shared>> -> memref<10000x128xf32, #tpu.memory_space<vmem_shared>>
        tpu.wait_indirect_dma semaphore(%arg13 : memref<!tpu.dma_semaphore, #tpu.memory_space<semaphore_mem>>) src(%arg9 : memref<125x128xf32, #tpu.memory_space<vmem>>) dst(%dma_wait3A_169 : memref<10000x128xf32, #tpu.memory_space<vmem_shared>>)
        %add3A_170 = arith.constant 2 : i32
        %add3A_171 = arith.addi %mul3A_121, %add3A_170 : i32
        %dma_start3A_172 = arith.constant 0 : i32
        %dma_start3A_173 = tpu.memref_slice %arg7[%add3A_171, %dma_start3A_172] : memref<40x125xi32, #tpu.memory_space<vmem>> -> memref<1x125xi32, #tpu.memory_space<vmem>>
        %dma_start3A_174 = tpu.memref_squeeze %dma_start3A_173 : memref<1x125xi32, #tpu.memory_space<vmem>> -> memref<125xi32, #tpu.memory_space<vmem>>
        %dma_start3A_175 = arith.constant 0 : i32
        %dma_start3A_176 = arith.constant 0 : i32
        %dma_start3A_177 = tpu.memref_slice %arg2[%dma_start3A_175, %dma_start3A_176] : memref<10000x128xf32, #tpu.memory_space<hbm>> -> memref<10000x128xf32, #tpu.memory_space<hbm>>
        tpu.enqueue_indirect_dma source(%dma_start3A_177 : memref<10000x128xf32, #tpu.memory_space<hbm>>) target(%arg9 : memref<125x128xf32, #tpu.memory_space<vmem>>) offsets(%dma_start3A_174 : memref<125xi32, #tpu.memory_space<vmem>>) semaphore(%arg11 : memref<!tpu.dma_semaphore, #tpu.memory_space<semaphore_mem>>)
      } else {
      }
      %add3A_141 = arith.constant 1 : i32
      %add3A_142 = arith.addi %mul3A_121, %add3A_141 : i32
      %dma_wait3A_143 = arith.constant 0 : i32
      %dma_wait3A_144 = tpu.memref_slice %arg7[%add3A_142, %dma_wait3A_143] : memref<40x125xi32, #tpu.memory_space<vmem>> -> memref<1x125xi32, #tpu.memory_space<vmem>>
      %dma_wait3A_145 = tpu.memref_squeeze %dma_wait3A_144 : memref<1x125xi32, #tpu.memory_space<vmem>> -> memref<125xi32, #tpu.memory_space<vmem>>
      %dma_wait3A_146 = arith.constant 0 : i32
      %dma_wait3A_147 = arith.constant 0 : i32
      %dma_wait3A_148 = tpu.memref_slice %arg2[%dma_wait3A_146, %dma_wait3A_147] : memref<10000x128xf32, #tpu.memory_space<hbm>> -> memref<10000x128xf32, #tpu.memory_space<hbm>>
      tpu.wait_indirect_dma semaphore(%arg12 : memref<!tpu.dma_semaphore, #tpu.memory_space<semaphore_mem>>) src(%dma_wait3A_148 : memref<10000x128xf32, #tpu.memory_space<hbm>>) dst(%arg10 : memref<125x128xf32, #tpu.memory_space<vmem>>)
      %add3A_149 = arith.constant 1 : i32
      %add3A_150 = arith.addi %mul3A_121, %add3A_149 : i32
      %dma_start3A_151 = arith.constant 0 : i32
      %dma_start3A_152 = tpu.memref_slice %arg8[%add3A_150, %dma_start3A_151] : memref<40x125xi32, #tpu.memory_space<vmem>> -> memref<1x125xi32, #tpu.memory_space<vmem>>
      %dma_start3A_153 = tpu.memref_squeeze %dma_start3A_152 : memref<1x125xi32, #tpu.memory_space<vmem>> -> memref<125xi32, #tpu.memory_space<vmem>>
      %dma_start3A_154 = arith.constant 0 : i32
      %dma_start3A_155 = arith.constant 0 : i32
      %dma_start3A_156 = tpu.memref_slice %arg6[%dma_start3A_154, %dma_start3A_155] : memref<10000x128xf32, #tpu.memory_space<vmem_shared>> -> memref<10000x128xf32, #tpu.memory_space<vmem_shared>>
      tpu.enqueue_indirect_dma source(%arg10 : memref<125x128xf32, #tpu.memory_space<vmem>>) target(%dma_start3A_156 : memref<10000x128xf32, #tpu.memory_space<vmem_shared>>) offsets(%dma_start3A_153 : memref<125xi32, #tpu.memory_space<vmem>>) semaphore(%arg14 : memref<!tpu.dma_semaphore, #tpu.memory_space<semaphore_mem>>) {add = true}
      %add3A_157 = arith.constant 3 : i32
      %add3A_158 = arith.addi %mul3A_121, %add3A_157 : i32
      %lt3A_159 = arith.constant 40 : i32
      %lt3A_160 = arith.cmpi slt, %add3A_158, %lt3A_159 : i32
      %convert_element_type3A_161 = arith.extui %lt3A_160 : i1 to i32
      %cond3A_162 = arith.constant 0 : i32
      %cond3A_163 = arith.cmpi ne, %convert_element_type3A_161, %cond3A_162 : i32
      scf.if %cond3A_163 {
        %add3A_164 = arith.constant 1 : i32
        %add3A_165 = arith.addi %mul3A_121, %add3A_164 : i32
        %dma_wait3A_166 = arith.constant 0 : i32
        %dma_wait3A_167 = tpu.memref_slice %arg8[%add3A_165, %dma_wait3A_166] : memref<40x125xi32, #tpu.memory_space<vmem>> -> memref<1x125xi32, #tpu.memory_space<vmem>>
        %dma_wait3A_168 = tpu.memref_squeeze %dma_wait3A_167 : memref<1x125xi32, #tpu.memory_space<vmem>> -> memref<125xi32, #tpu.memory_space<vmem>>
        %dma_wait3A_169 = arith.constant 0 : i32
        %dma_wait3A_170 = arith.constant 0 : i32
        %dma_wait3A_171 = tpu.memref_slice %arg6[%dma_wait3A_169, %dma_wait3A_170] : memref<10000x128xf32, #tpu.memory_space<vmem_shared>> -> memref<10000x128xf32, #tpu.memory_space<vmem_shared>>
        tpu.wait_indirect_dma semaphore(%arg14 : memref<!tpu.dma_semaphore, #tpu.memory_space<semaphore_mem>>) src(%arg10 : memref<125x128xf32, #tpu.memory_space<vmem>>) dst(%dma_wait3A_171 : memref<10000x128xf32, #tpu.memory_space<vmem_shared>>)
        %add3A_172 = arith.constant 3 : i32
        %add3A_173 = arith.addi %mul3A_121, %add3A_172 : i32
        %dma_start3A_174 = arith.constant 0 : i32
        %dma_start3A_175 = tpu.memref_slice %arg7[%add3A_173, %dma_start3A_174] : memref<40x125xi32, #tpu.memory_space<vmem>> -> memref<1x125xi32, #tpu.memory_space<vmem>>
        %dma_start3A_176 = tpu.memref_squeeze %dma_start3A_175 : memref<1x125xi32, #tpu.memory_space<vmem>> -> memref<125xi32, #tpu.memory_space<vmem>>
        %dma_start3A_177 = arith.constant 0 : i32
        %dma_start3A_178 = arith.constant 0 : i32
        %dma_start3A_179 = tpu.memref_slice %arg2[%dma_start3A_177, %dma_start3A_178] : memref<10000x128xf32, #tpu.memory_space<hbm>> -> memref<10000x128xf32, #tpu.memory_space<hbm>>
        tpu.enqueue_indirect_dma source(%dma_start3A_179 : memref<10000x128xf32, #tpu.memory_space<hbm>>) target(%arg10 : memref<125x128xf32, #tpu.memory_space<vmem>>) offsets(%dma_start3A_176 : memref<125xi32, #tpu.memory_space<vmem>>) semaphore(%arg12 : memref<!tpu.dma_semaphore, #tpu.memory_space<semaphore_mem>>)
      } else {
      }
    }
    %scan3A_45 = arith.constant 20 : i32
    %dma_wait3A = arith.constant 0 : i32
    %dma_wait3A_46 = arith.constant 0 : i32
    %dma_wait3A_47 = tpu.memref_slice %arg8[%dma_wait3A, %dma_wait3A_46] : memref<40x125xi32, #tpu.memory_space<vmem>> -> memref<1x125xi32, #tpu.memory_space<vmem>>
    %dma_wait3A_48 = tpu.memref_squeeze %dma_wait3A_47 : memref<1x125xi32, #tpu.memory_space<vmem>> -> memref<125xi32, #tpu.memory_space<vmem>>
    %dma_wait3A_49 = arith.constant 0 : i32
    %dma_wait3A_50 = arith.constant 0 : i32
    %dma_wait3A_51 = tpu.memref_slice %arg6[%dma_wait3A_49, %dma_wait3A_50] : memref<10000x128xf32, #tpu.memory_space<vmem_shared>> -> memref<10000x128xf32, #tpu.memory_space<vmem_shared>>
    tpu.wait_indirect_dma semaphore(%arg13 : memref<!tpu.dma_semaphore, #tpu.memory_space<semaphore_mem>>) src(%arg9 : memref<125x128xf32, #tpu.memory_space<vmem>>) dst(%dma_wait3A_51 : memref<10000x128xf32, #tpu.memory_space<vmem_shared>>)
    %dma_wait3A_52 = arith.constant 0 : i32
    %dma_wait3A_53 = arith.constant 0 : i32
    %dma_wait3A_54 = tpu.memref_slice %arg8[%dma_wait3A_52, %dma_wait3A_53] : memref<40x125xi32, #tpu.memory_space<vmem>> -> memref<1x125xi32, #tpu.memory_space<vmem>>
    %dma_wait3A_55 = tpu.memref_squeeze %dma_wait3A_54 : memref<1x125xi32, #tpu.memory_space<vmem>> -> memref<125xi32, #tpu.memory_space<vmem>>
    %dma_wait3A_56 = arith.constant 0 : i32
    %dma_wait3A_57 = arith.constant 0 : i32
    %dma_wait3A_58 = tpu.memref_slice %arg6[%dma_wait3A_56, %dma_wait3A_57] : memref<10000x128xf32, #tpu.memory_space<vmem_shared>> -> memref<10000x128xf32, #tpu.memory_space<vmem_shared>>
    tpu.wait_indirect_dma semaphore(%arg14 : memref<!tpu.dma_semaphore, #tpu.memory_space<semaphore_mem>>) src(%arg10 : memref<125x128xf32, #tpu.memory_space<vmem>>) dst(%dma_wait3A_58 : memref<10000x128xf32, #tpu.memory_space<vmem_shared>>)
    "tpu.region"() ({
      %run_scoped3A = tpu.sem_alloc : memref<!tpu.dma_semaphore, #tpu.memory_space<semaphore_mem>>
      %dma_start3A_119 = arith.constant 40 : i32
      %dma_start3A_120 = arith.constant 0 : i32
      %dma_start3A_121 = tpu.memref_slice %arg3[%add3A, %dma_start3A_119, %dma_start3A_120] : memref<32x80x125xi32, #tpu.memory_space<hbm>> -> memref<1x40x125xi32, #tpu.memory_space<hbm>>
      %dma_start3A_122 = tpu.memref_squeeze %dma_start3A_121 : memref<1x40x125xi32, #tpu.memory_space<hbm>> -> memref<40x125xi32, #tpu.memory_space<hbm>>
      %dma_start3A_123 = arith.constant 40 : i32
      %dma_start3A_124 = arith.constant 0 : i32
      %dma_start3A_125 = tpu.memref_slice %arg3[%add3A, %dma_start3A_123, %dma_start3A_124] : memref<32x80x125xi32, #tpu.memory_space<hbm>> -> memref<1x40x125xi32, #tpu.memory_space<hbm>>
      %dma_start3A_126 = tpu.memref_squeeze %dma_start3A_125 : memref<1x40x125xi32, #tpu.memory_space<hbm>> -> memref<40x125xi32, #tpu.memory_space<hbm>>
      tpu.enqueue_dma source(%dma_start3A_126 : memref<40x125xi32, #tpu.memory_space<hbm>>) target(%arg7 : memref<40x125xi32, #tpu.memory_space<vmem>>) target_semaphore(%run_scoped3A : memref<!tpu.dma_semaphore, #tpu.memory_space<semaphore_mem>>)
      %dma_wait3A_127 = arith.constant 40 : i32
      %dma_wait3A_128 = arith.constant 0 : i32
      %dma_wait3A_129 = tpu.memref_slice %arg3[%add3A, %dma_wait3A_127, %dma_wait3A_128] : memref<32x80x125xi32, #tpu.memory_space<hbm>> -> memref<1x40x125xi32, #tpu.memory_space<hbm>>
      %dma_wait3A_130 = tpu.memref_squeeze %dma_wait3A_129 : memref<1x40x125xi32, #tpu.memory_space<hbm>> -> memref<40x125xi32, #tpu.memory_space<hbm>>
      %dma_wait3A_131 = arith.constant 40 : i32
      %dma_wait3A_132 = arith.constant 0 : i32
      %dma_wait3A_133 = tpu.memref_slice %arg3[%add3A, %dma_wait3A_131, %dma_wait3A_132] : memref<32x80x125xi32, #tpu.memory_space<hbm>> -> memref<1x40x125xi32, #tpu.memory_space<hbm>>
      %dma_wait3A_134 = tpu.memref_squeeze %dma_wait3A_133 : memref<1x40x125xi32, #tpu.memory_space<hbm>> -> memref<40x125xi32, #tpu.memory_space<hbm>>
      tpu.wait_dma2 semaphore(%run_scoped3A : memref<!tpu.dma_semaphore, #tpu.memory_space<semaphore_mem>>) src(%dma_wait3A_134 : memref<40x125xi32, #tpu.memory_space<hbm>>) dst(%arg7 : memref<40x125xi32, #tpu.memory_space<vmem>>)
      tpu.yield
    }) : () -> ()
    "tpu.region"() ({
      %run_scoped3A = tpu.sem_alloc : memref<!tpu.dma_semaphore, #tpu.memory_space<semaphore_mem>>
      %dma_start3A_119 = arith.constant 40 : i32
      %dma_start3A_120 = arith.constant 0 : i32
      %dma_start3A_121 = tpu.memref_slice %arg4[%add3A, %dma_start3A_119, %dma_start3A_120] : memref<32x80x125xi32, #tpu.memory_space<hbm>> -> memref<1x40x125xi32, #tpu.memory_space<hbm>>
      %dma_start3A_122 = tpu.memref_squeeze %dma_start3A_121 : memref<1x40x125xi32, #tpu.memory_space<hbm>> -> memref<40x125xi32, #tpu.memory_space<hbm>>
      %dma_start3A_123 = arith.constant 40 : i32
      %dma_start3A_124 = arith.constant 0 : i32
      %dma_start3A_125 = tpu.memref_slice %arg4[%add3A, %dma_start3A_123, %dma_start3A_124] : memref<32x80x125xi32, #tpu.memory_space<hbm>> -> memref<1x40x125xi32, #tpu.memory_space<hbm>>
      %dma_start3A_126 = tpu.memref_squeeze %dma_start3A_125 : memref<1x40x125xi32, #tpu.memory_space<hbm>> -> memref<40x125xi32, #tpu.memory_space<hbm>>
      tpu.enqueue_dma source(%dma_start3A_126 : memref<40x125xi32, #tpu.memory_space<hbm>>) target(%arg8 : memref<40x125xi32, #tpu.memory_space<vmem>>) target_semaphore(%run_scoped3A : memref<!tpu.dma_semaphore, #tpu.memory_space<semaphore_mem>>)
      %dma_wait3A_127 = arith.constant 40 : i32
      %dma_wait3A_128 = arith.constant 0 : i32
      %dma_wait3A_129 = tpu.memref_slice %arg4[%add3A, %dma_wait3A_127, %dma_wait3A_128] : memref<32x80x125xi32, #tpu.memory_space<hbm>> -> memref<1x40x125xi32, #tpu.memory_space<hbm>>
      %dma_wait3A_130 = tpu.memref_squeeze %dma_wait3A_129 : memref<1x40x125xi32, #tpu.memory_space<hbm>> -> memref<40x125xi32, #tpu.memory_space<hbm>>
      %dma_wait3A_131 = arith.constant 40 : i32
      %dma_wait3A_132 = arith.constant 0 : i32
      %dma_wait3A_133 = tpu.memref_slice %arg4[%add3A, %dma_wait3A_131, %dma_wait3A_132] : memref<32x80x125xi32, #tpu.memory_space<hbm>> -> memref<1x40x125xi32, #tpu.memory_space<hbm>>
      %dma_wait3A_134 = tpu.memref_squeeze %dma_wait3A_133 : memref<1x40x125xi32, #tpu.memory_space<hbm>> -> memref<40x125xi32, #tpu.memory_space<hbm>>
      tpu.wait_dma2 semaphore(%run_scoped3A : memref<!tpu.dma_semaphore, #tpu.memory_space<semaphore_mem>>) src(%dma_wait3A_134 : memref<40x125xi32, #tpu.memory_space<hbm>>) dst(%arg8 : memref<40x125xi32, #tpu.memory_space<vmem>>)
      tpu.yield
    }) : () -> ()
    %dma_start3A_59 = arith.constant 0 : i32
    %dma_start3A_60 = arith.constant 0 : i32
    %dma_start3A_61 = tpu.memref_slice %arg7[%dma_start3A_59, %dma_start3A_60] : memref<40x125xi32, #tpu.memory_space<vmem>> -> memref<1x125xi32, #tpu.memory_space<vmem>>
    %dma_start3A_62 = tpu.memref_squeeze %dma_start3A_61 : memref<1x125xi32, #tpu.memory_space<vmem>> -> memref<125xi32, #tpu.memory_space<vmem>>
    %dma_start3A_63 = arith.constant 0 : i32
    %dma_start3A_64 = arith.constant 0 : i32
    %dma_start3A_65 = tpu.memref_slice %arg2[%dma_start3A_63, %dma_start3A_64] : memref<10000x128xf32, #tpu.memory_space<hbm>> -> memref<10000x128xf32, #tpu.memory_space<hbm>>
    tpu.enqueue_indirect_dma source(%dma_start3A_65 : memref<10000x128xf32, #tpu.memory_space<hbm>>) target(%arg9 : memref<125x128xf32, #tpu.memory_space<vmem>>) offsets(%dma_start3A_62 : memref<125xi32, #tpu.memory_space<vmem>>) semaphore(%arg11 : memref<!tpu.dma_semaphore, #tpu.memory_space<semaphore_mem>>)
    %dma_start3A_66 = arith.constant 1 : i32
    %dma_start3A_67 = arith.constant 0 : i32
    %dma_start3A_68 = tpu.memref_slice %arg7[%dma_start3A_66, %dma_start3A_67] : memref<40x125xi32, #tpu.memory_space<vmem>> -> memref<1x125xi32, #tpu.memory_space<vmem>>
    %dma_start3A_69 = tpu.memref_squeeze %dma_start3A_68 : memref<1x125xi32, #tpu.memory_space<vmem>> -> memref<125xi32, #tpu.memory_space<vmem>>
    %dma_start3A_70 = arith.constant 0 : i32
    %dma_start3A_71 = arith.constant 0 : i32
    %dma_start3A_72 = tpu.memref_slice %arg2[%dma_start3A_70, %dma_start3A_71] : memref<10000x128xf32, #tpu.memory_space<hbm>> -> memref<10000x128xf32, #tpu.memory_space<hbm>>
    tpu.enqueue_indirect_dma source(%dma_start3A_72 : memref<10000x128xf32, #tpu.memory_space<hbm>>) target(%arg10 : memref<125x128xf32, #tpu.memory_space<vmem>>) offsets(%dma_start3A_69 : memref<125xi32, #tpu.memory_space<vmem>>) semaphore(%arg12 : memref<!tpu.dma_semaphore, #tpu.memory_space<semaphore_mem>>)
    %scan3A_73 = arith.constant 0 : i32
    %scan3A_74 = arith.constant 0 : i32
    %scan3A_75 = arith.constant 20 : i32
    %scan3A_76 = arith.addi %scan3A_74, %scan3A_75 : i32
    %scan3A_77 = arith.constant 1 : i32
    scf.for %scan3A_119 = %scan3A_74 to %scan3A_76 step %scan3A_77  : i32 {
      %mul3A_120 = arith.constant 2 : i32
      %mul3A_121 = arith.muli %scan3A_119, %mul3A_120 : i32
      %dma_wait3A_122 = arith.constant 0 : i32
      %dma_wait3A_123 = tpu.memref_slice %arg7[%mul3A_121, %dma_wait3A_122] : memref<40x125xi32, #tpu.memory_space<vmem>> -> memref<1x125xi32, #tpu.memory_space<vmem>>
      %dma_wait3A_124 = tpu.memref_squeeze %dma_wait3A_123 : memref<1x125xi32, #tpu.memory_space<vmem>> -> memref<125xi32, #tpu.memory_space<vmem>>
      %dma_wait3A_125 = arith.constant 0 : i32
      %dma_wait3A_126 = arith.constant 0 : i32
      %dma_wait3A_127 = tpu.memref_slice %arg2[%dma_wait3A_125, %dma_wait3A_126] : memref<10000x128xf32, #tpu.memory_space<hbm>> -> memref<10000x128xf32, #tpu.memory_space<hbm>>
      tpu.wait_indirect_dma semaphore(%arg11 : memref<!tpu.dma_semaphore, #tpu.memory_space<semaphore_mem>>) src(%dma_wait3A_127 : memref<10000x128xf32, #tpu.memory_space<hbm>>) dst(%arg9 : memref<125x128xf32, #tpu.memory_space<vmem>>)
      %dma_start3A_128 = arith.constant 0 : i32
      %dma_start3A_129 = tpu.memref_slice %arg8[%mul3A_121, %dma_start3A_128] : memref<40x125xi32, #tpu.memory_space<vmem>> -> memref<1x125xi32, #tpu.memory_space<vmem>>
      %dma_start3A_130 = tpu.memref_squeeze %dma_start3A_129 : memref<1x125xi32, #tpu.memory_space<vmem>> -> memref<125xi32, #tpu.memory_space<vmem>>
      %dma_start3A_131 = arith.constant 0 : i32
      %dma_start3A_132 = arith.constant 0 : i32
      %dma_start3A_133 = tpu.memref_slice %arg6[%dma_start3A_131, %dma_start3A_132] : memref<10000x128xf32, #tpu.memory_space<vmem_shared>> -> memref<10000x128xf32, #tpu.memory_space<vmem_shared>>
      tpu.enqueue_indirect_dma source(%arg9 : memref<125x128xf32, #tpu.memory_space<vmem>>) target(%dma_start3A_133 : memref<10000x128xf32, #tpu.memory_space<vmem_shared>>) offsets(%dma_start3A_130 : memref<125xi32, #tpu.memory_space<vmem>>) semaphore(%arg13 : memref<!tpu.dma_semaphore, #tpu.memory_space<semaphore_mem>>) {add = true}
      %add3A_134 = arith.constant 2 : i32
      %add3A_135 = arith.addi %mul3A_121, %add3A_134 : i32
      %lt3A_136 = arith.constant 40 : i32
      %lt3A_137 = arith.cmpi slt, %add3A_135, %lt3A_136 : i32
      %convert_element_type3A_138 = arith.extui %lt3A_137 : i1 to i32
      %cond3A_139 = arith.constant 0 : i32
      %cond3A_140 = arith.cmpi ne, %convert_element_type3A_138, %cond3A_139 : i32
      scf.if %cond3A_140 {
        %dma_wait3A_164 = arith.constant 0 : i32
        %dma_wait3A_165 = tpu.memref_slice %arg8[%mul3A_121, %dma_wait3A_164] : memref<40x125xi32, #tpu.memory_space<vmem>> -> memref<1x125xi32, #tpu.memory_space<vmem>>
        %dma_wait3A_166 = tpu.memref_squeeze %dma_wait3A_165 : memref<1x125xi32, #tpu.memory_space<vmem>> -> memref<125xi32, #tpu.memory_space<vmem>>
        %dma_wait3A_167 = arith.constant 0 : i32
        %dma_wait3A_168 = arith.constant 0 : i32
        %dma_wait3A_169 = tpu.memref_slice %arg6[%dma_wait3A_167, %dma_wait3A_168] : memref<10000x128xf32, #tpu.memory_space<vmem_shared>> -> memref<10000x128xf32, #tpu.memory_space<vmem_shared>>
        tpu.wait_indirect_dma semaphore(%arg13 : memref<!tpu.dma_semaphore, #tpu.memory_space<semaphore_mem>>) src(%arg9 : memref<125x128xf32, #tpu.memory_space<vmem>>) dst(%dma_wait3A_169 : memref<10000x128xf32, #tpu.memory_space<vmem_shared>>)
        %add3A_170 = arith.constant 2 : i32
        %add3A_171 = arith.addi %mul3A_121, %add3A_170 : i32
        %dma_start3A_172 = arith.constant 0 : i32
        %dma_start3A_173 = tpu.memref_slice %arg7[%add3A_171, %dma_start3A_172] : memref<40x125xi32, #tpu.memory_space<vmem>> -> memref<1x125xi32, #tpu.memory_space<vmem>>
        %dma_start3A_174 = tpu.memref_squeeze %dma_start3A_173 : memref<1x125xi32, #tpu.memory_space<vmem>> -> memref<125xi32, #tpu.memory_space<vmem>>
        %dma_start3A_175 = arith.constant 0 : i32
        %dma_start3A_176 = arith.constant 0 : i32
        %dma_start3A_177 = tpu.memref_slice %arg2[%dma_start3A_175, %dma_start3A_176] : memref<10000x128xf32, #tpu.memory_space<hbm>> -> memref<10000x128xf32, #tpu.memory_space<hbm>>
        tpu.enqueue_indirect_dma source(%dma_start3A_177 : memref<10000x128xf32, #tpu.memory_space<hbm>>) target(%arg9 : memref<125x128xf32, #tpu.memory_space<vmem>>) offsets(%dma_start3A_174 : memref<125xi32, #tpu.memory_space<vmem>>) semaphore(%arg11 : memref<!tpu.dma_semaphore, #tpu.memory_space<semaphore_mem>>)
      } else {
      }
      %add3A_141 = arith.constant 1 : i32
      %add3A_142 = arith.addi %mul3A_121, %add3A_141 : i32
      %dma_wait3A_143 = arith.constant 0 : i32
      %dma_wait3A_144 = tpu.memref_slice %arg7[%add3A_142, %dma_wait3A_143] : memref<40x125xi32, #tpu.memory_space<vmem>> -> memref<1x125xi32, #tpu.memory_space<vmem>>
      %dma_wait3A_145 = tpu.memref_squeeze %dma_wait3A_144 : memref<1x125xi32, #tpu.memory_space<vmem>> -> memref<125xi32, #tpu.memory_space<vmem>>
      %dma_wait3A_146 = arith.constant 0 : i32
      %dma_wait3A_147 = arith.constant 0 : i32
      %dma_wait3A_148 = tpu.memref_slice %arg2[%dma_wait3A_146, %dma_wait3A_147] : memref<10000x128xf32, #tpu.memory_space<hbm>> -> memref<10000x128xf32, #tpu.memory_space<hbm>>
      tpu.wait_indirect_dma semaphore(%arg12 : memref<!tpu.dma_semaphore, #tpu.memory_space<semaphore_mem>>) src(%dma_wait3A_148 : memref<10000x128xf32, #tpu.memory_space<hbm>>) dst(%arg10 : memref<125x128xf32, #tpu.memory_space<vmem>>)
      %add3A_149 = arith.constant 1 : i32
      %add3A_150 = arith.addi %mul3A_121, %add3A_149 : i32
      %dma_start3A_151 = arith.constant 0 : i32
      %dma_start3A_152 = tpu.memref_slice %arg8[%add3A_150, %dma_start3A_151] : memref<40x125xi32, #tpu.memory_space<vmem>> -> memref<1x125xi32, #tpu.memory_space<vmem>>
      %dma_start3A_153 = tpu.memref_squeeze %dma_start3A_152 : memref<1x125xi32, #tpu.memory_space<vmem>> -> memref<125xi32, #tpu.memory_space<vmem>>
      %dma_start3A_154 = arith.constant 0 : i32
      %dma_start3A_155 = arith.constant 0 : i32
      %dma_start3A_156 = tpu.memref_slice %arg6[%dma_start3A_154, %dma_start3A_155] : memref<10000x128xf32, #tpu.memory_space<vmem_shared>> -> memref<10000x128xf32, #tpu.memory_space<vmem_shared>>
      tpu.enqueue_indirect_dma source(%arg10 : memref<125x128xf32, #tpu.memory_space<vmem>>) target(%dma_start3A_156 : memref<10000x128xf32, #tpu.memory_space<vmem_shared>>) offsets(%dma_start3A_153 : memref<125xi32, #tpu.memory_space<vmem>>) semaphore(%arg14 : memref<!tpu.dma_semaphore, #tpu.memory_space<semaphore_mem>>) {add = true}
      %add3A_157 = arith.constant 3 : i32
      %add3A_158 = arith.addi %mul3A_121, %add3A_157 : i32
      %lt3A_159 = arith.constant 40 : i32
      %lt3A_160 = arith.cmpi slt, %add3A_158, %lt3A_159 : i32
      %convert_element_type3A_161 = arith.extui %lt3A_160 : i1 to i32
      %cond3A_162 = arith.constant 0 : i32
      %cond3A_163 = arith.cmpi ne, %convert_element_type3A_161, %cond3A_162 : i32
      scf.if %cond3A_163 {
        %add3A_164 = arith.constant 1 : i32
        %add3A_165 = arith.addi %mul3A_121, %add3A_164 : i32
        %dma_wait3A_166 = arith.constant 0 : i32
        %dma_wait3A_167 = tpu.memref_slice %arg8[%add3A_165, %dma_wait3A_166] : memref<40x125xi32, #tpu.memory_space<vmem>> -> memref<1x125xi32, #tpu.memory_space<vmem>>
        %dma_wait3A_168 = tpu.memref_squeeze %dma_wait3A_167 : memref<1x125xi32, #tpu.memory_space<vmem>> -> memref<125xi32, #tpu.memory_space<vmem>>
        %dma_wait3A_169 = arith.constant 0 : i32
        %dma_wait3A_170 = arith.constant 0 : i32
        %dma_wait3A_171 = tpu.memref_slice %arg6[%dma_wait3A_169, %dma_wait3A_170] : memref<10000x128xf32, #tpu.memory_space<vmem_shared>> -> memref<10000x128xf32, #tpu.memory_space<vmem_shared>>
        tpu.wait_indirect_dma semaphore(%arg14 : memref<!tpu.dma_semaphore, #tpu.memory_space<semaphore_mem>>) src(%arg10 : memref<125x128xf32, #tpu.memory_space<vmem>>) dst(%dma_wait3A_171 : memref<10000x128xf32, #tpu.memory_space<vmem_shared>>)
        %add3A_172 = arith.constant 3 : i32
        %add3A_173 = arith.addi %mul3A_121, %add3A_172 : i32
        %dma_start3A_174 = arith.constant 0 : i32
        %dma_start3A_175 = tpu.memref_slice %arg7[%add3A_173, %dma_start3A_174] : memref<40x125xi32, #tpu.memory_space<vmem>> -> memref<1x125xi32, #tpu.memory_space<vmem>>
        %dma_start3A_176 = tpu.memref_squeeze %dma_start3A_175 : memref<1x125xi32, #tpu.memory_space<vmem>> -> memref<125xi32, #tpu.memory_space<vmem>>
        %dma_start3A_177 = arith.constant 0 : i32
        %dma_start3A_178 = arith.constant 0 : i32
        %dma_start3A_179 = tpu.memref_slice %arg2[%dma_start3A_177, %dma_start3A_178] : memref<10000x128xf32, #tpu.memory_space<hbm>> -> memref<10000x128xf32, #tpu.memory_space<hbm>>
        tpu.enqueue_indirect_dma source(%dma_start3A_179 : memref<10000x128xf32, #tpu.memory_space<hbm>>) target(%arg10 : memref<125x128xf32, #tpu.memory_space<vmem>>) offsets(%dma_start3A_176 : memref<125xi32, #tpu.memory_space<vmem>>) semaphore(%arg12 : memref<!tpu.dma_semaphore, #tpu.memory_space<semaphore_mem>>)
      } else {
      }
    }
    %scan3A_78 = arith.constant 20 : i32
    %dma_wait3A_79 = arith.constant 0 : i32
    %dma_wait3A_80 = arith.constant 0 : i32
    %dma_wait3A_81 = tpu.memref_slice %arg8[%dma_wait3A_79, %dma_wait3A_80] : memref<40x125xi32, #tpu.memory_space<vmem>> -> memref<1x125xi32, #tpu.memory_space<vmem>>
    %dma_wait3A_82 = tpu.memref_squeeze %dma_wait3A_81 : memref<1x125xi32, #tpu.memory_space<vmem>> -> memref<125xi32, #tpu.memory_space<vmem>>
    %dma_wait3A_83 = arith.constant 0 : i32
    %dma_wait3A_84 = arith.constant 0 : i32
    %dma_wait3A_85 = tpu.memref_slice %arg6[%dma_wait3A_83, %dma_wait3A_84] : memref<10000x128xf32, #tpu.memory_space<vmem_shared>> -> memref<10000x128xf32, #tpu.memory_space<vmem_shared>>
    tpu.wait_indirect_dma semaphore(%arg13 : memref<!tpu.dma_semaphore, #tpu.memory_space<semaphore_mem>>) src(%arg9 : memref<125x128xf32, #tpu.memory_space<vmem>>) dst(%dma_wait3A_85 : memref<10000x128xf32, #tpu.memory_space<vmem_shared>>)
    %dma_wait3A_86 = arith.constant 0 : i32
    %dma_wait3A_87 = arith.constant 0 : i32
    %dma_wait3A_88 = tpu.memref_slice %arg8[%dma_wait3A_86, %dma_wait3A_87] : memref<40x125xi32, #tpu.memory_space<vmem>> -> memref<1x125xi32, #tpu.memory_space<vmem>>
    %dma_wait3A_89 = tpu.memref_squeeze %dma_wait3A_88 : memref<1x125xi32, #tpu.memory_space<vmem>> -> memref<125xi32, #tpu.memory_space<vmem>>
    %dma_wait3A_90 = arith.constant 0 : i32
    %dma_wait3A_91 = arith.constant 0 : i32
    %dma_wait3A_92 = tpu.memref_slice %arg6[%dma_wait3A_90, %dma_wait3A_91] : memref<10000x128xf32, #tpu.memory_space<vmem_shared>> -> memref<10000x128xf32, #tpu.memory_space<vmem_shared>>
    tpu.wait_indirect_dma semaphore(%arg14 : memref<!tpu.dma_semaphore, #tpu.memory_space<semaphore_mem>>) src(%arg10 : memref<125x128xf32, #tpu.memory_space<vmem>>) dst(%dma_wait3A_92 : memref<10000x128xf32, #tpu.memory_space<vmem_shared>>)
    %barrier3A_93 = arith.constant 0 : index
    tpu.barrier barrier_id(%barrier3A_93)
    %mul3A_94 = arith.constant 400 : i32
    %mul3A_95 = arith.muli %arg1, %mul3A_94 : i32
    %mul3A_96 = arith.constant 400 : i32
    %mul3A_97 = arith.muli %arg1, %mul3A_96 : i32
    %dma_start3A_98 = arith.constant 0 : i32
    %dma_start3A_99 = tpu.memref_slice %arg5[%arg0, %mul3A_97, %dma_start3A_98] : memref<2x10000x128xf32, #tpu.memory_space<hbm>> -> memref<1x400x128xf32, #tpu.memory_space<hbm>>
    %dma_start3A_100 = tpu.memref_squeeze %dma_start3A_99 : memref<1x400x128xf32, #tpu.memory_space<hbm>> -> memref<400x128xf32, #tpu.memory_space<hbm>>
    %dma_start3A_101 = arith.constant 0 : i32
    %dma_start3A_102 = tpu.memref_slice %arg6[%mul3A_95, %dma_start3A_101] : memref<10000x128xf32, #tpu.memory_space<vmem_shared>> -> memref<400x128xf32, #tpu.memory_space<vmem_shared>>
    tpu.enqueue_dma source(%dma_start3A_102 : memref<400x128xf32, #tpu.memory_space<vmem_shared>>) target(%dma_start3A_100 : memref<400x128xf32, #tpu.memory_space<hbm>>) target_semaphore(%arg11 : memref<!tpu.dma_semaphore, #tpu.memory_space<semaphore_mem>>)
    %lt3A = arith.constant 9 : i32
    %lt3A_103 = arith.cmpi slt, %arg1, %lt3A : i32
    %convert_element_type3A = arith.extui %lt3A_103 : i1 to i32
    %cond3A = arith.constant 0 : i32
    %cond3A_104 = arith.cmpi ne, %convert_element_type3A, %cond3A : i32
    scf.if %cond3A_104 {
      %add3A_119 = arith.constant 16 : i32
      %add3A_120 = arith.addi %arg1, %add3A_119 : i32
      %mul3A_121 = arith.constant 400 : i32
      %mul3A_122 = arith.muli %add3A_120, %mul3A_121 : i32
      %add3A_123 = arith.constant 16 : i32
      %add3A_124 = arith.addi %arg1, %add3A_123 : i32
      %mul3A_125 = arith.constant 400 : i32
      %mul3A_126 = arith.muli %add3A_124, %mul3A_125 : i32
      %dma_start3A_127 = arith.constant 0 : i32
      %dma_start3A_128 = tpu.memref_slice %arg5[%arg0, %mul3A_126, %dma_start3A_127] : memref<2x10000x128xf32, #tpu.memory_space<hbm>> -> memref<1x400x128xf32, #tpu.memory_space<hbm>>
      %dma_start3A_129 = tpu.memref_squeeze %dma_start3A_128 : memref<1x400x128xf32, #tpu.memory_space<hbm>> -> memref<400x128xf32, #tpu.memory_space<hbm>>
      %dma_start3A_130 = arith.constant 0 : i32
      %dma_start3A_131 = tpu.memref_slice %arg6[%mul3A_122, %dma_start3A_130] : memref<10000x128xf32, #tpu.memory_space<vmem_shared>> -> memref<400x128xf32, #tpu.memory_space<vmem_shared>>
      tpu.enqueue_dma source(%dma_start3A_131 : memref<400x128xf32, #tpu.memory_space<vmem_shared>>) target(%dma_start3A_129 : memref<400x128xf32, #tpu.memory_space<hbm>>) target_semaphore(%arg12 : memref<!tpu.dma_semaphore, #tpu.memory_space<semaphore_mem>>)
    } else {
    }
    %mul3A_105 = arith.constant 400 : i32
    %mul3A_106 = arith.muli %arg1, %mul3A_105 : i32
    %mul3A_107 = arith.constant 400 : i32
    %mul3A_108 = arith.muli %arg1, %mul3A_107 : i32
    %dma_wait3A_109 = arith.constant 0 : i32
    %dma_wait3A_110 = tpu.memref_slice %arg5[%arg0, %mul3A_108, %dma_wait3A_109] : memref<2x10000x128xf32, #tpu.memory_space<hbm>> -> memref<1x400x128xf32, #tpu.memory_space<hbm>>
    %dma_wait3A_111 = tpu.memref_squeeze %dma_wait3A_110 : memref<1x400x128xf32, #tpu.memory_space<hbm>> -> memref<400x128xf32, #tpu.memory_space<hbm>>
    %dma_wait3A_112 = arith.constant 0 : i32
    %dma_wait3A_113 = tpu.memref_slice %arg6[%mul3A_106, %dma_wait3A_112] : memref<10000x128xf32, #tpu.memory_space<vmem_shared>> -> memref<400x128xf32, #tpu.memory_space<vmem_shared>>
    tpu.wait_dma2 semaphore(%arg11 : memref<!tpu.dma_semaphore, #tpu.memory_space<semaphore_mem>>) src(%dma_wait3A_113 : memref<400x128xf32, #tpu.memory_space<vmem_shared>>) dst(%dma_wait3A_111 : memref<400x128xf32, #tpu.memory_space<hbm>>)
    %lt3A_114 = arith.constant 9 : i32
    %lt3A_115 = arith.cmpi slt, %arg1, %lt3A_114 : i32
    %convert_element_type3A_116 = arith.extui %lt3A_115 : i1 to i32
    %cond3A_117 = arith.constant 0 : i32
    %cond3A_118 = arith.cmpi ne, %convert_element_type3A_116, %cond3A_117 : i32
    scf.if %cond3A_118 {
      %add3A_119 = arith.constant 16 : i32
      %add3A_120 = arith.addi %arg1, %add3A_119 : i32
      %mul3A_121 = arith.constant 400 : i32
      %mul3A_122 = arith.muli %add3A_120, %mul3A_121 : i32
      %add3A_123 = arith.constant 16 : i32
      %add3A_124 = arith.addi %arg1, %add3A_123 : i32
      %mul3A_125 = arith.constant 400 : i32
      %mul3A_126 = arith.muli %add3A_124, %mul3A_125 : i32
      %dma_wait3A_127 = arith.constant 0 : i32
      %dma_wait3A_128 = tpu.memref_slice %arg5[%arg0, %mul3A_126, %dma_wait3A_127] : memref<2x10000x128xf32, #tpu.memory_space<hbm>> -> memref<1x400x128xf32, #tpu.memory_space<hbm>>
      %dma_wait3A_129 = tpu.memref_squeeze %dma_wait3A_128 : memref<1x400x128xf32, #tpu.memory_space<hbm>> -> memref<400x128xf32, #tpu.memory_space<hbm>>
      %dma_wait3A_130 = arith.constant 0 : i32
      %dma_wait3A_131 = tpu.memref_slice %arg6[%mul3A_122, %dma_wait3A_130] : memref<10000x128xf32, #tpu.memory_space<vmem_shared>> -> memref<400x128xf32, #tpu.memory_space<vmem_shared>>
      tpu.wait_dma2 semaphore(%arg12 : memref<!tpu.dma_semaphore, #tpu.memory_space<semaphore_mem>>) src(%dma_wait3A_131 : memref<400x128xf32, #tpu.memory_space<vmem_shared>>) dst(%dma_wait3A_129 : memref<400x128xf32, #tpu.memory_space<hbm>>)
    } else {
    }
    return
  }
}

module attributes {stable_mosaic.version = 14 : i64} {
  func.func @_root_body(%arg0: i32, %arg1: memref<1000x128xf32, #tpu.memory_space<vmem>>, %arg2: memref<128x128xf32, #tpu.memory_space<vmem>>, %arg3: memref<1x128xf32, #tpu.memory_space<vmem>>, %arg4: memref<1000x128xf32, #tpu.memory_space<vmem>>) attributes {dimension_semantics = [#tpu.dimension_semantics<arbitrary>], iteration_bounds = array<i64: 10>, scalar_prefetch = 0 : i64, scratch_operands = 0 : i64, tpu.core_type = #tpu.core_type<tc>, window_params = [{transform_indices = @transform_0, window_bounds = array<i64: 1000, 128>}, {pipeline_mode = #tpu.pipeline_mode<synchronous>, transform_indices = @transform_1, window_bounds = array<i64: 128, 128>}, {pipeline_mode = #tpu.pipeline_mode<synchronous>, transform_indices = @transform_2, window_bounds = array<i64: 1, 128>}, {transform_indices = @transform_3, window_bounds = array<i64: 1000, 128>}]} {
    %get3A = arith.constant 0 : index
    %get3A_0 = arith.constant 0 : index
    %get3A_1 = vector.load %arg1[%get3A, %get3A_0] : memref<1000x128xf32, #tpu.memory_space<vmem>>, vector<1000x128xf32>
    %get3A_2 = arith.constant 0 : index
    %get3A_3 = arith.constant 0 : index
    %get3A_4 = vector.load %arg2[%get3A_2, %get3A_3] : memref<128x128xf32, #tpu.memory_space<vmem>>, vector<128x128xf32>
    %dot_general3A = arith.constant dense<0.000000e+00> : vector<1000x128xf32>
    %dot_general3A_5 = tpu.matmul %get3A_1, %get3A_4, %dot_general3A {dimension_numbers = #tpu.dot_dimension_numbers<[1], [0], [0], [1], [0, 0, 1, 1], [], []>, transpose_lhs_hint = false} : vector<1000x128xf32>, vector<128x128xf32>, vector<1000x128xf32> -> vector<1000x128xf32>
    %get3A_6 = arith.constant 0 : index
    %get3A_7 = arith.constant 0 : index
    %get3A_8 = vector.load %arg3[%get3A_6, %get3A_7] : memref<1x128xf32, #tpu.memory_space<vmem>>, vector<1x128xf32>
    %add3A = vector.broadcast %get3A_8 : vector<1x128xf32> to vector<1000x128xf32>
    %add3A_9 = arith.addf %dot_general3A_5, %add3A : vector<1000x128xf32>
    %swap3A = arith.constant 0 : index
    %swap3A_10 = arith.constant 0 : index
    %swap3A_11 = vector.load %arg4[%swap3A, %swap3A_10] : memref<1000x128xf32, #tpu.memory_space<vmem>>, vector<1000x128xf32>
    tpu.vector_store %arg4[%swap3A, %swap3A_10], %add3A_9 {strides = array<i32>} : memref<1000x128xf32, #tpu.memory_space<vmem>>, vector<1000x128xf32>,
    return
  }
  func.func @transform_0(%arg0: i32) -> (i32, i32) {
    %c0_i32 = arith.constant 0 : i32
    %c0_i32_0 = arith.constant 0 : i32
    return %arg0, %c0_i32 : i32, i32
  }
  func.func @transform_1(%arg0: i32) -> (i32, i32) {
    %c0_i32 = arith.constant 0 : i32
    %c0_i32_0 = arith.constant 0 : i32
    %c0_i32_1 = arith.constant 0 : i32
    return %c0_i32, %c0_i32_0 : i32, i32
  }
  func.func @transform_2(%arg0: i32) -> (i32, i32) {
    %c0_i32 = arith.constant 0 : i32
    %c0_i32_0 = arith.constant 0 : i32
    %c0_i32_1 = arith.constant 0 : i32
    return %c0_i32, %c0_i32_0 : i32, i32
  }
  func.func @transform_3(%arg0: i32) -> (i32, i32) {
    %c0_i32 = arith.constant 0 : i32
    %c0_i32_0 = arith.constant 0 : i32
    return %arg0, %c0_i32 : i32, i32
  }
}

module attributes {stable_mosaic.version = 14 : i64} {
  func.func @_mid_body(%arg0: i32, %arg1: memref<2x1000x128xf32, #tpu.memory_space<vmem>>, %arg2: memref<1000x128xf32, #tpu.memory_space<vmem>>, %arg3: memref<128x128xf32, #tpu.memory_space<vmem>>, %arg4: memref<1000x128xf32, #tpu.memory_space<vmem>>) attributes {dimension_semantics = [#tpu.dimension_semantics<arbitrary>], iteration_bounds = array<i64: 10>, scalar_prefetch = 0 : i64, scratch_operands = 0 : i64, tpu.core_type = #tpu.core_type<tc>, window_params = [{transform_indices = @transform_0, window_bounds = array<i64: 2, 1000, 128>}, {transform_indices = @transform_1, window_bounds = array<i64: 1000, 128>}, {pipeline_mode = #tpu.pipeline_mode<synchronous>, transform_indices = @transform_2, window_bounds = array<i64: 128, 128>}, {transform_indices = @transform_3, window_bounds = array<i64: 1000, 128>}]} {
    %get3A = arith.constant 0 : index
    %get3A_0 = arith.constant 0 : index
    %get3A_1 = arith.constant 0 : index
    %get3A_2 = vector.load %arg1[%get3A, %get3A_0, %get3A_1] : memref<2x1000x128xf32, #tpu.memory_space<vmem>>, vector<1x1000x128xf32>
    %get3A_3 = vector.shape_cast %get3A_2 : vector<1x1000x128xf32> to vector<1000x128xf32>
    %get3A_4 = arith.constant 1 : index
    %get3A_5 = arith.constant 0 : index
    %get3A_6 = arith.constant 0 : index
    %get3A_7 = vector.load %arg1[%get3A_4, %get3A_5, %get3A_6] : memref<2x1000x128xf32, #tpu.memory_space<vmem>>, vector<1x1000x128xf32>
    %get3A_8 = vector.shape_cast %get3A_7 : vector<1x1000x128xf32> to vector<1000x128xf32>
    %add3A = arith.addf %get3A_3, %get3A_8 : vector<1000x128xf32>
    %get3A_9 = arith.constant 0 : index
    %get3A_10 = arith.constant 0 : index
    %get3A_11 = vector.load %arg3[%get3A_9, %get3A_10] : memref<128x128xf32, #tpu.memory_space<vmem>>, vector<128x128xf32>
    %dot_general3A = arith.constant dense<0.000000e+00> : vector<1000x128xf32>
    %dot_general3A_12 = tpu.matmul %add3A, %get3A_11, %dot_general3A {dimension_numbers = #tpu.dot_dimension_numbers<[1], [0], [0], [1], [0, 0, 1, 1], [], []>, transpose_lhs_hint = false} : vector<1000x128xf32>, vector<128x128xf32>, vector<1000x128xf32> -> vector<1000x128xf32>
    %get3A_13 = arith.constant 0 : index
    %get3A_14 = arith.constant 0 : index
    %get3A_15 = vector.load %arg2[%get3A_13, %get3A_14] : memref<1000x128xf32, #tpu.memory_space<vmem>>, vector<1000x128xf32>
    %add3A_16 = arith.addf %dot_general3A_12, %get3A_15 : vector<1000x128xf32>
    %max3A = arith.constant 0.000000e+00 : f32
    %max3A_17 = vector.broadcast %max3A : f32 to vector<1000x128xf32>
    %max3A_18 = arith.maximumf %add3A_16, %max3A_17 : vector<1000x128xf32>
    %swap3A = arith.constant 0 : index
    %swap3A_19 = arith.constant 0 : index
    %swap3A_20 = vector.load %arg4[%swap3A, %swap3A_19] : memref<1000x128xf32, #tpu.memory_space<vmem>>, vector<1000x128xf32>
    tpu.vector_store %arg4[%swap3A, %swap3A_19], %max3A_18 {strides = array<i32>} : memref<1000x128xf32, #tpu.memory_space<vmem>>, vector<1000x128xf32>,
    return
  }
  func.func @transform_0(%arg0: i32) -> (i32, i32, i32) {
    %c0_i32 = arith.constant 0 : i32
    %c0_i32_0 = arith.constant 0 : i32
    %c0_i32_1 = arith.constant 0 : i32
    return %c0_i32, %arg0, %c0_i32_0 : i32, i32, i32
  }
  func.func @transform_1(%arg0: i32) -> (i32, i32) {
    %c0_i32 = arith.constant 0 : i32
    %c0_i32_0 = arith.constant 0 : i32
    return %arg0, %c0_i32 : i32, i32
  }
  func.func @transform_2(%arg0: i32) -> (i32, i32) {
    %c0_i32 = arith.constant 0 : i32
    %c0_i32_0 = arith.constant 0 : i32
    %c0_i32_1 = arith.constant 0 : i32
    return %c0_i32, %c0_i32_0 : i32, i32
  }
  func.func @transform_3(%arg0: i32) -> (i32, i32) {
    %c0_i32 = arith.constant 0 : i32
    %c0_i32_0 = arith.constant 0 : i32
    return %arg0, %c0_i32 : i32, i32
  }
}

module attributes {stable_mosaic.version = 14 : i64} {
  func.func @_head_body(%arg0: i32, %arg1: memref<2x1000x128xf32, #tpu.memory_space<vmem>>, %arg2: memref<1000x128xf32, #tpu.memory_space<vmem>>, %arg3: memref<128x128xf32, #tpu.memory_space<vmem>>, %arg4: memref<128x192xf32, #tpu.memory_space<vmem>>, %arg5: memref<1x192xf32, #tpu.memory_space<vmem>>, %arg6: memref<1000x192xf32, #tpu.memory_space<vmem>>) attributes {dimension_semantics = [#tpu.dimension_semantics<arbitrary>], iteration_bounds = array<i64: 10>, scalar_prefetch = 0 : i64, scratch_operands = 0 : i64, tpu.core_type = #tpu.core_type<tc>, window_params = [{transform_indices = @transform_0, window_bounds = array<i64: 2, 1000, 128>}, {transform_indices = @transform_1, window_bounds = array<i64: 1000, 128>}, {pipeline_mode = #tpu.pipeline_mode<synchronous>, transform_indices = @transform_2, window_bounds = array<i64: 128, 128>}, {pipeline_mode = #tpu.pipeline_mode<synchronous>, transform_indices = @transform_3, window_bounds = array<i64: 128, 192>}, {pipeline_mode = #tpu.pipeline_mode<synchronous>, transform_indices = @transform_4, window_bounds = array<i64: 1, 192>}, {transform_indices = @transform_5, window_bounds = array<i64: 1000, 192>}]} {
    %get3A = arith.constant 0 : index
    %get3A_0 = arith.constant 0 : index
    %get3A_1 = arith.constant 0 : index
    %get3A_2 = vector.load %arg1[%get3A, %get3A_0, %get3A_1] : memref<2x1000x128xf32, #tpu.memory_space<vmem>>, vector<1x1000x128xf32>
    %get3A_3 = vector.shape_cast %get3A_2 : vector<1x1000x128xf32> to vector<1000x128xf32>
    %get3A_4 = arith.constant 1 : index
    %get3A_5 = arith.constant 0 : index
    %get3A_6 = arith.constant 0 : index
    %get3A_7 = vector.load %arg1[%get3A_4, %get3A_5, %get3A_6] : memref<2x1000x128xf32, #tpu.memory_space<vmem>>, vector<1x1000x128xf32>
    %get3A_8 = vector.shape_cast %get3A_7 : vector<1x1000x128xf32> to vector<1000x128xf32>
    %add3A = arith.addf %get3A_3, %get3A_8 : vector<1000x128xf32>
    %get3A_9 = arith.constant 0 : index
    %get3A_10 = arith.constant 0 : index
    %get3A_11 = vector.load %arg3[%get3A_9, %get3A_10] : memref<128x128xf32, #tpu.memory_space<vmem>>, vector<128x128xf32>
    %dot_general3A = arith.constant dense<0.000000e+00> : vector<1000x128xf32>
    %dot_general3A_12 = tpu.matmul %add3A, %get3A_11, %dot_general3A {dimension_numbers = #tpu.dot_dimension_numbers<[1], [0], [0], [1], [0, 0, 1, 1], [], []>, transpose_lhs_hint = false} : vector<1000x128xf32>, vector<128x128xf32>, vector<1000x128xf32> -> vector<1000x128xf32>
    %get3A_13 = arith.constant 0 : index
    %get3A_14 = arith.constant 0 : index
    %get3A_15 = vector.load %arg2[%get3A_13, %get3A_14] : memref<1000x128xf32, #tpu.memory_space<vmem>>, vector<1000x128xf32>
    %add3A_16 = arith.addf %dot_general3A_12, %get3A_15 : vector<1000x128xf32>
    %max3A = arith.constant 0.000000e+00 : f32
    %max3A_17 = vector.broadcast %max3A : f32 to vector<1000x128xf32>
    %max3A_18 = arith.maximumf %add3A_16, %max3A_17 : vector<1000x128xf32>
    %get3A_19 = arith.constant 0 : index
    %get3A_20 = arith.constant 0 : index
    %get3A_21 = vector.load %arg4[%get3A_19, %get3A_20] : memref<128x192xf32, #tpu.memory_space<vmem>>, vector<128x192xf32>
    %dot_general3A_22 = arith.constant dense<0.000000e+00> : vector<1000x192xf32>
    %dot_general3A_23 = tpu.matmul %max3A_18, %get3A_21, %dot_general3A_22 {dimension_numbers = #tpu.dot_dimension_numbers<[1], [0], [0], [1], [0, 0, 1, 1], [], []>, transpose_lhs_hint = false} : vector<1000x128xf32>, vector<128x192xf32>, vector<1000x192xf32> -> vector<1000x192xf32>
    %get3A_24 = arith.constant 0 : index
    %get3A_25 = arith.constant 0 : index
    %get3A_26 = vector.load %arg5[%get3A_24, %get3A_25] : memref<1x192xf32, #tpu.memory_space<vmem>>, vector<1x192xf32>
    %add3A_27 = vector.broadcast %get3A_26 : vector<1x192xf32> to vector<1000x192xf32>
    %add3A_28 = arith.addf %dot_general3A_23, %add3A_27 : vector<1000x192xf32>
    %swap3A = arith.constant 0 : index
    %swap3A_29 = arith.constant 0 : index
    %swap3A_30 = vector.load %arg6[%swap3A, %swap3A_29] : memref<1000x192xf32, #tpu.memory_space<vmem>>, vector<1000x192xf32>
    tpu.vector_store %arg6[%swap3A, %swap3A_29], %add3A_28 {strides = array<i32>} : memref<1000x192xf32, #tpu.memory_space<vmem>>, vector<1000x192xf32>,
    return
  }
  func.func @transform_0(%arg0: i32) -> (i32, i32, i32) {
    %c0_i32 = arith.constant 0 : i32
    %c0_i32_0 = arith.constant 0 : i32
    %c0_i32_1 = arith.constant 0 : i32
    return %c0_i32, %arg0, %c0_i32_0 : i32, i32, i32
  }
  func.func @transform_1(%arg0: i32) -> (i32, i32) {
    %c0_i32 = arith.constant 0 : i32
    %c0_i32_0 = arith.constant 0 : i32
    return %arg0, %c0_i32 : i32, i32
  }
  func.func @transform_2(%arg0: i32) -> (i32, i32) {
    %c0_i32 = arith.constant 0 : i32
    %c0_i32_0 = arith.constant 0 : i32
    %c0_i32_1 = arith.constant 0 : i32
    return %c0_i32, %c0_i32_0 : i32, i32
  }
  func.func @transform_3(%arg0: i32) -> (i32, i32) {
    %c0_i32 = arith.constant 0 : i32
    %c0_i32_0 = arith.constant 0 : i32
    %c0_i32_1 = arith.constant 0 : i32
    return %c0_i32, %c0_i32_0 : i32, i32
  }
  func.func @transform_4(%arg0: i32) -> (i32, i32) {
    %c0_i32 = arith.constant 0 : i32
    %c0_i32_0 = arith.constant 0 : i32
    %c0_i32_1 = arith.constant 0 : i32
    return %c0_i32, %c0_i32_0 : i32, i32
  }
  func.func @transform_5(%arg0: i32) -> (i32, i32) {
    %c0_i32 = arith.constant 0 : i32
    %c0_i32_0 = arith.constant 0 : i32
    return %arg0, %c0_i32 : i32, i32
  }
}

</mosaic_0001>

<sc_bundles>
// kernel: kernel.11.cloned.1.call-start
scs
__scs_entry_jumppad:
0x0: {  	(pc) =	sbr.rel $0x88, $3  }
0x1: {  	(tag) =	ssettag $0x0;
	lr =	simm.s32 $0x1  }
0x2: {  	[smem:$0x3F97] =	sst lr;
	_ =	strace $0xD0000000  }
0x3: {  	_ = 	snop  }
0x4: {  	_ = 	snop  }
0x5: {  	_ = 	snop  }
0x6: {  	_ = 	snop  }
0x7: {  	_ = 	snop  }
__scs_overlays_trampoline_lowered:
0x8: {  	[smem:$0x3FA6] =	sst s0  }
0x9: {  	[smem:$0x3FA7] =	sst s1  }
0xa: {  	[smem:$0x3FA8] =	sst s2  }
0xb: {  	[smem:$0x3FA9] =	sst s3  }
0xc: {  	[smem:$0x3FAA] =	sst s4  }
0xd: {  	[smem:$0x3FAB] =	sst s5  }
0xe: {  	[smem:$0x3FAC] =	sst s6  }
0xf: {  	[smem:$0x3FAD] =	sst s7  }
0x10: {  	[smem:$0x3FAE] =	sst s8  }
0x11: {  	[smem:$0x3FAF] =	sst s9;
	s0 =	simm.s32 @!p0 $0x0  }
0x12: {  	s1 =	sld [smem:$0x3F95];
	s0 =	simm.s32 @p0 $0x1  }
0x13: {  	[smem:$0x3FB0] =	sst s0;
	s0 =	simm.s32 @!p1 $0x0  }
0x14: {  	s2 =	sld [smem:$0x3F94];
	s0 =	simm.s32 @p1 $0x1  }
0x15: {  	[smem:$0x3FB1] =	sst s0;
	s0 =	simm.s32 @!p2 $0x0  }
0x16: {  	s3 =	sld [smem:$0x3FDB];
	s0 =	simm.s32 @p2 $0x1  }
0x17: {  	s4 =	simm.s32 $0x1BF5;
	[smem:$0x3FB3] =	sst s0  }
0x18: {  	s0 =	sld [smem:$0x3F96];
	_ =	swait.ge [sflag:s4], $0x0  }
0x19: {  	s7 =	sld [smem:$0x3F97]  }
0x1a: {  	s8 =	sadd.s32 $0xFFFFE003, lr  }
0x1b: {  	s9 =	sadd.s32 $0xFFFFFEF7, lr;
	s5 =	simm.s32 $0xFFFFFFFF;
	p2 =	slt.u32 s8, $0xFFFFF086  }
0x1c: {  	p1 =	slt.u32 s9, $0xF7A;
	s5 =	simm.s32 @!p2 $0x0  }
0x1d: {  	s5 =	simm.s32 @p1 $0x1;
	p0 =	seq.s32 s7, s2  }
0x1e: {  	s7 =	smul.u32 @!p0 $0xF7A, s2;
	p2 =	seq.s32 @!p0 s5, $0x0  }
0x1f: {  	s9 =	smul.u32 $0xF7A, s1;
	s8 =	simm.s32 @!p0 $0x1BF5;
	p2 =	por !p2, p0  }
0x20: {  	[sflag:s8] =	ssyncset.s32 @!p0 $0xFFFFF086;
	s6 =	sadd.s32 @!p0 s3, s7;
	s7 =	simm.s32 @!p0 $0x108  }
0x21: {  	s3 =	sadd.s32 s3, s9;
	s6 =	sadd.s32 @!p0 $0x88, s6;
	s7 =	simm.s32 @p2 $0x1082  }
0x22: {  	[simem:s7], [sflag:s8] =	dma.local @!p0 [hbm:s6], $0xF7A  }
0x23: {  	s9 =	sor.u32 $0xD0000000, s2;
	s6 =	simm.s32 $0x108;
	_ =	swait.ge @!p0 [sflag:s8], $0x0  }
0x24: {  	s3 =	sadd.s32 $0x88, s3;
	s6 =	simm.s32 @!p1 $0x1082;
	[sflag:s4] =	ssyncset.s32 $0xFFFFF086  }
0x25: {  	[simem:s6], [sflag:s4] =	dma.local [hbm:s3], $0xF7A  }
0x26: {  	[smem:$0x3F97] =	sst s1;
	(tag) =	ssettag s2;
	_ =	strace s9  }
0x27: {  	s1 =	sld [smem:$0x3FA7]  }
0x28: {  	s2 =	sld [smem:$0x3FA8]  }
0x29: {  	s4 =	sld [smem:$0x3FAA]  }
0x2a: {  	p0 =	seq.s32 s5, $0x0;
	s5 =	sld [smem:$0x3FAB]  }
0x2b: {  	s6 =	sld [smem:$0x3FAC]  }
0x2c: {  	s7 =	sld [smem:$0x3FAD]  }
0x2d: {  	s3 =	simm.s32 $0x108;
	s8 =	sld [smem:$0x3FAE]  }
0x2e: {  	s3 =	simm.s32 @!p0 $0x1082;
	s9 =	sld [smem:$0x3FAF]  }
0x2f: {  	lr =	sadd.s32 s0, s3;
	s0 =	sld [smem:$0x3FA6]  }
0x30: {  	s3 =	sld [smem:$0x3FA9]  }
0x31: {  	[smem:$0x3FB2] =	sst s10  }
0x32: {  	s10 =	sld [smem:$0x3FB0];
	_ =	sdelay $0x3  }
0x33: {  	p0 =	seq.s32 s10, $0x1;
	s10 =	sld [smem:$0x3FB2];
	_ =	sdelay $0x3  }
0x34: {  	[smem:$0x3FB2] =	sst s10  }
0x35: {  	s10 =	sld [smem:$0x3FB1];
	_ =	sdelay $0x3  }
0x36: {  	p1 =	seq.s32 s10, $0x1;
	s10 =	sld [smem:$0x3FB2];
	_ =	sdelay $0x3  }
0x37: {  	[smem:$0x3FB2] =	sst s10  }
0x38: {  	s10 =	sld [smem:$0x3FB3]  }
0x39: {  	_ = 	snop;
	(pc) =	sbr.ind lr, $3  }
0x3a: {  	_ = 	snop  }
0x3b: {  	_ = 	snop  }
0x3c: {  	p2 =	seq.s32 s10, $0x1;
	s10 =	sld [smem:$0x3FB2]  }
0x3d: {  	_ =	shalt  }
0x3e: {  	_ =	shalt  }
0x3f: {  	_ =	shalt  }
0x40: {  	_ =	shalt  }
0x41: {  	_ =	shalt  }
0x42: {  	_ =	shalt  }
0x43: {  	_ =	shalt  }
0x44: {  	_ =	shalt  }
0x45: {  	_ =	shalt  }
0x46: {  	_ =	shalt  }
0x47: {  	_ =	shalt  }
0x48: {  	_ =	shalt  }
0x49: {  	_ =	shalt  }
0x4a: {  	_ =	shalt  }
0x4b: {  	_ =	shalt  }
0x4c: {  	_ =	shalt  }
0x4d: {  	_ =	shalt  }
0x4e: {  	_ =	shalt  }
0x4f: {  	_ =	shalt  }
0x50: {  	_ =	shalt  }
0x51: {  	_ =	shalt  }
0x52: {  	_ =	shalt  }
0x53: {  	_ =	shalt  }
0x54: {  	_ =	shalt  }
0x55: {  	_ =	shalt  }
0x56: {  	_ =	shalt  }
0x57: {  	_ =	shalt  }
0x58: {  	_ =	shalt  }
0x59: {  	_ =	shalt  }
0x5a: {  	_ =	shalt  }
0x5b: {  	_ =	shalt  }
0x5c: {  	_ =	shalt  }
0x5d: {  	_ =	shalt  }
0x5e: {  	_ =	shalt  }
0x5f: {  	_ =	shalt  }
0x60: {  	_ =	shalt  }
0x61: {  	_ =	shalt  }
0x62: {  	_ =	shalt  }
0x63: {  	_ =	shalt  }
0x64: {  	_ =	shalt  }
0x65: {  	_ =	shalt  }
0x66: {  	_ =	shalt  }
0x67: {  	_ =	shalt  }
0x68: {  	_ =	shalt  }
0x69: {  	_ =	shalt  }
0x6a: {  	_ =	shalt  }
0x6b: {  	_ =	shalt  }
0x6c: {  	_ =	shalt  }
0x6d: {  	_ =	shalt  }
0x6e: {  	_ =	shalt  }
0x6f: {  	_ =	shalt  }
0x70: {  	_ =	shalt  }
0x71: {  	_ =	shalt  }
0x72: {  	_ =	shalt  }
0x73: {  	_ =	shalt  }
0x74: {  	_ =	shalt  }
0x75: {  	_ =	shalt  }
0x76: {  	_ =	shalt  }
0x77: {  	_ =	shalt  }
0x78: {  	_ =	shalt  }
0x79: {  	_ =	shalt  }
0x7a: {  	_ =	shalt  }
0x7b: {  	_ =	shalt  }
0x7c: {  	_ =	shalt  }
0x7d: {  	_ =	shalt  }
0x7e: {  	_ =	shalt  }
0x7f: {  	_ =	shalt  }
0x80: {  	_ =	shalt  }
0x81: {  	_ =	shalt  }
0x82: {  	_ =	shalt  }
0x83: {  	_ =	shalt  }
0x84: {  	_ =	shalt  }
0x85: {  	_ =	shalt  }
0x86: {  	_ =	shalt  }
0x87: {  	_ =	shalt  }
.Lfunc_end0:
.L_simem_size_0:
called_computation.1_lowered:
.L_overlay_start_0:
0x88: {  	s2 =	sld [smem:$0x3FD9]  }
0x89: {  	s3 =	sld [smem:$0x3FFE];
	_ =	sdelay $0x1  }
0x8a: {  	s1 =	srdreg.scid  }
0x8b: {  	s0 =	sand.u32 $0x1, s1  }
0x8c: {  	s17 =	sshll.u32 s0, $0xA;
	s2 =	sadd.s32 s3, s2  }
0x8d: {  	s2 =	sadd.s32 s2, s17  }
0x8e: {  	[smem:$0x3FBE] =	sst s2  }
0x8f: {  	_ = 	snop  }
0x90: {  	s2 =	sld [smem:$0x3FD0];
	(tm) =	ssettm $0x1  }
0x91: {  	s18 =	sld [smem:$0x3FFB];
	_ =	sdelay $0x3  }
0x92: {  	_ =	strace s18  }
0x93: {  	s3 =	sld [smem:$0x3FFC];
	_ =	sdelay $0x3  }
0x94: {  	_ =	strace s3  }
0x95: {  	s3 =	sld [smem:$0x3FFD];
	_ =	sdelay $0x3  }
0x96: {  	_ =	strace s3  }
0x97: {  	_ =	strace $0x8FFFFFFF  }
0x98: {  	s19 =	sld [smem:$0x3FDB];
	_ =	sdelay $0x1  }
0x99: {  	s4 =	simm.s32 $_scs_section_size  }
0x9a: {  	s5 =	simm.s32 $_size__tile_overlayer_lowered;
	s6 =	simm.s32 $_tile_overlayer_lowered  }
0x9b: {  	s22 =	simm.s32 $0x1BFF;
	s21 =	sshll.u32 s6, $0x1;
	s3 =	sadd.s32 s4, s19  }
0x9c: {  	s7 =	simm.s32 $0x0;
	s20 =	sshll.u32 s5, $0x1;
	s5 =	sadd.s32 s21, s3  }
0x9d: {  	[timem:s7], [sflag:s22] =	dma.local [hbm:s5], s20  }
0x9e: {  	_ =	swait.ge [sflag:s22], s20  }
0x9f: {  	s4 =	ssub.s32 $0x0, s20;
	[sflag:s22] =	ssyncset.done $0x0  }
0xa0: {  	[sflag:s22] =	ssyncadd.s32 s4;
	_ =	sdelay $0x1  }
0xa1: {  	s23 =	simm.s32 $0x1B8B  }
0xa2: {  	_ =	swait.ge [sflag:s23], $0x1  }
0xa3: {  	[sflag:s23] =	ssyncset.done $0x0  }
0xa4: {  	s25 =	simm.s32 $0x1B8E;
	s24 =	sld [smem:$0x3FFE];
	[sflag:s23] =	ssyncadd.s32 $0xFFFFFFFF  }
0xa5: {  	s26 =	simm.s32 $execute0_lowered;
	[smem:$0x3FD2] =	sst s25  }
0xa6: {  	s5 =	sshll.u32 s26, $0x1;
	_ =	strace $0x80000049;
	[dreg:$0x1] =	wrdreg $0xFFFFFFFF  }
0xa7: {  	s28 =	simm.s32 $_size_execute0_lowered;
	s3 =	sadd.s32 s3, s5;
	[dreg:$0x0] =	wrdreg $0x0  }
0xa8: {  	s5 =	sshll.u32 s28, $0x1;
	[dreg:$0x2] =	wrdreg s3  }
0xa9: {  	[dreg:$0x3] =	wrdreg s5  }
0xaa: {  	[dreg:$0x4] =	wrdreg $0xC0  }
0xab: {  	_ =	task [dreg:s7], $0x5FFFF  }
0xac: {  	[dreg:$0x1] =	wrdreg $0xFFFFFFFF  }
0xad: {  	[dreg:$0x0] =	wrdreg $0x60  }
0xae: {  	[dreg:$0x2] =	wrdreg s2  }
0xaf: {  	[dreg:$0x3] =	wrdreg s24  }
0xb0: {  	[dreg:$0x4] =	wrdreg $0x0  }
0xb1: {  	[dreg:$0x5] =	wrdreg $0x9  }
0xb2: {  	_ =	task.clear_ibuf [dreg:s7], $0x6FFFF;
	_ =	strace $0x90000049  }
0xb3: {  	s29 =	simm.s32 $0x9;
	_ =	strace $0x8000004B  }
0xb4: {  	_ =	swait.ge [sflag:s29], $0x1  }
0xb5: {  	[sflag:s29] =	ssyncadd.s32 $0xFFFFFFFF  }
0xb6: {  	_ =	strace $0x9000004B  }
0xb7: {  	_ =	sfence  }
0xb8: {  	s30 =	sld [smem:$0x0];
	_ =	sdelay $0x2  }
0xb9: {  	s31 =	sshll.u32 s1, $0xD;
	s1 =	sshrl.u32 s1, $0x2  }
0xba: {  	s3 =	sand.u32 $0x4000, s31;
	s1 =	sadd.s32 s1, s30  }
0xbb: {  	s0 =	sor.u32 s3, s0;
	s1 =	sshll.u32 s1, $0x11  }
0xbc: {  	s0 =	sor.u32 s1, s0  }
0xbd: {  	s0 =	sadd.s32 $0x8F2B, s0  }
0xbe: {  	[sflag:s0] =	ssyncadd.remote.s32 $0x1  }
0xbf: {  	_ =	sfence.sel $0xFFFF  }
0xc0: {  	[dreg:$0x0] =	wrdreg $0xFFFFFFFF;
	(pc) =	sbr.abs _section_cstart, $3  }
0xc1: {  	[dreg:$0x1] =	wrdreg $0xFFFFFFFF  }
0xc2: {  	_ =	task.clear_ibuf [dreg:s7], $0x2FFFF;
	_ =	strace $0x9FFFFFFF  }
0xc3: {  	(tm) =	ssettm $0x7FFFFFFF  }
tec
execute0_lowered:
.L_overlay_start_1:
0x0: {  	(tag) =	ssettag $0x1  }
0x1: {  	s1 =	rddreg [dreg:$0x0]  }
0x2: {  	s0 =	rddreg [dreg:$0x1]  }
0x3: {  	s2 =	rddreg [dreg:$0x2]  }
0x4: {  	s3 =	simm.s32 $0x0;
	s4 =	srdreg.scid;
	s18 =	simm.s32 $0x5  }
0x5: {  	s19 =	simm.s32 $0x13880;
	s28 =	simm.s32 $0x3;
	s29 =	simm.s32 $0x2  }
0x6: {  	s30 =	simm.s32 $0x4;
	[smem:$0x7FF] =	sst s3;
	s3 =	stileid.u32  }
0x7: {  	s31 =	simm.s32 $0x15F80;
	s4 =	sand.u32 $0x1, s4;
	s5 =	smul.u32 $0x4E200, s3  }
0x8: {  	s8 =	sshll.u32 s4, $0x4;
	s9 =	ssub.s32 $0x2, s4;
	s4 =	smul.u32 $0x138800, s4  }
0x9: {  	s6 =	sadd.s32 $0xBE00, s0;
	s7 =	sadd.s32 $0x1E00, s0;
	s14 =	smul.u32 $0xC800, s3  }
0xa: {  	s0 =	sadd.s32 $0x15E00, s0;
	_ =	strace $0x8000004A;
	s25 =	smul.u32 $0x32000, s3  }
0xb: {  	p0 =	sgt.u32 s3, $0x8;
	s8 =	sor.u32 s3, s8;
	s10 =	sshrl.u32 s9, $0x1  }
0xc: {  	s5 =	sshrl.u32 s5, $0x2;
	s8 =	smul.u32 $0x2800, s8;
	s16 =	ssub.s32 s9, s10  }
0xd: {  	s24 =	sadd.s32 s14, s4;
	s17 =	sadd.s32 $0xC8000, s14;
	s5 =	sadd.s32 s5, s2  }
0xe: {  	s26 =	sshrl.u32 s25, $0x2;
	s4 =	sadd.s32 s4, s17;
	s20 =	sadd.s32 $0x3E80, s5  }
0xf: {  	s16 =	smax.u32 s16, $0x1;
	s21 =	sadd.s32 $0x7D00, s5;
	[dreg:$0x4] =	wrdreg s20  }
0x10: {  	s22 =	sadd.s32 $0xBB80, s5;
	s8 =	sshrl.u32 s8, $0x3;
	[dreg:$0x5] =	wrdreg s21  }
0x11: {  	s23 =	sadd.s32 $0xFA00, s5;
	s4 =	sshrl.u32 s4, $0x3;
	[dreg:$0x6] =	wrdreg s22  }
0x12: {  	[dreg:$0x7] =	wrdreg s23;
	s13 =	sadd.s32 $0x280, s8;
	s10 =	sadd.s32 s6, s8  }
0x13: {  	s11 =	sadd.s32 s7, s8;
	s15 =	sadd.s32 s0, s4;
	s20 =	simm.s32 $0x14C80  }
0x14: {  	s21 =	simm.s32 $0x7D;
	s22 =	simm.s32 $0x13900;
	s23 =	simm.s32 $0x1A080  }
0x15: {  	s4 =	simm.s32 $0x0;
	s12 =	sadd.s32 s6, s13;
	s6 =	sshrl.u32 s24, $0x3  }
0x16: {  	s13 =	sadd.s32 s7, s13;
	s14 =	sadd.s32 s0, s6;
	s6 =	sadd.s32 s26, s2  }
0x17: {  	s0 =	sadd.s32 s17, s2;
	s17 =	simm.s32 $0x16080;
	s26 =	simm.s32 $0x1  }
0x18: {  	v0 =	vimm.f32 $0.0e+00;
	s24 =	sshrl.u32 s6, $0x3;
	s25 =	sshrl.u32 @!p0 s0, $0x3;
	s0 =	simm.s32 $0x16000  }
.LBB2_1:
0x19: {  	s7 =	simm.s32 $0x0  }
0x1a: {  	s6 =	sand.u32 $0xFE00, s7  }
0x1b: {  	s7 =	sand.u32 $0x70, s7;
	s8 =	sshrl.u32 s6, $0x2  }
0x1c: {  	s6 =	simm.s32 $0x40;
	s8 =	sor.u32 s7, s8;
	s7 =	simm.s32 $0x0  }
.LBB2_2:
0x1d: {  	p1 =	sne.s32 s6, $0xF9C0  }
0x1e: {  	[tilespmem:s8+$0x16080] =	vst v0;
	s7 =	sadd.s32 $0x10, s7;
	s8 =	smov.u32 s6;
	s6 =	sadd.s32 $0x40, s6  }
.Ltmp0:
0x1f: {  	(pc) =	sbr.rel @p1 .LBB2_2-.Ltmp0, $4  }
0x20: {  	_ = 	snop  }
0x21: {  	s8 =	sand.u32 $0xFE00, s8  }
0x22: {  	s9 =	sand.u32 $0x70, s7;
	s8 =	sshrl.u32 s8, $0x2  }
0x23: {  	s8 =	sor.u32 s9, s8  }
0x24: {  	[tilespmem:s8+$0x16080] =	vst v0  }
0x25: {  	[spmem:s5] =	stream.linear.scatter [tilespmem:s17], [sflag:$0x5], $0x3E80, $0x38;
	[tilespmem:$0x1E080] =	vst v63  }
0x26: {  	_ =	swait.ge [sflag:s18], $0x3E80  }
0x27: {  	[sflag:s18] =	ssyncset.done $0x0  }
0x28: {  	s6 =	rddreg [dreg:$0x4];
	[sflag:s18] =	ssyncadd.s32 $0xFFFFC180  }
0x29: {  	[spmem:s6] =	stream.linear.scatter [tilespmem:s17], [sflag:$0x5], $0x3E80, $0x38;
	[tilespmem:$0x1E080] =	vst v63  }
0x2a: {  	_ =	swait.ge [sflag:s18], $0x3E80  }
0x2b: {  	[sflag:s18] =	ssyncset.done $0x0  }
0x2c: {  	s9 =	rddreg [dreg:$0x5];
	[sflag:s18] =	ssyncadd.s32 $0xFFFFC180  }
0x2d: {  	[spmem:s9] =	stream.linear.scatter [tilespmem:s17], [sflag:$0x5], $0x3E80, $0x38;
	[tilespmem:$0x1E080] =	vst v63  }
0x2e: {  	_ =	swait.ge [sflag:s18], $0x3E80  }
0x2f: {  	[sflag:s18] =	ssyncset.done $0x0  }
0x30: {  	s7 =	rddreg [dreg:$0x6];
	[sflag:s18] =	ssyncadd.s32 $0xFFFFC180  }
0x31: {  	[spmem:s7] =	stream.linear.scatter [tilespmem:s17], [sflag:$0x5], $0x3E80, $0x38;
	[tilespmem:$0x1E080] =	vst v63  }
0x32: {  	_ =	swait.ge [sflag:s18], $0x3E80  }
0x33: {  	[sflag:s18] =	ssyncset.done $0x0  }
0x34: {  	s8 =	rddreg [dreg:$0x7];
	[sflag:s18] =	ssyncadd.s32 $0xFFFFC180  }
0x35: {  	[spmem:s8] =	stream.linear.scatter [tilespmem:s17], [sflag:$0x5], $0x3E80, $0x38;
	[tilespmem:$0x1E080] =	vst v63  }
0x36: {  	_ =	swait.ge [sflag:s18], $0x3E80  }
0x37: {  	[sflag:s18] =	ssyncset.done $0x0  }
0x38: {  	[sflag:s18] =	ssyncadd.s32 $0xFFFFC180  }
0x39: {  	s9 =	simm.s32 $0x0;
	[bflag:$0x0] =	sbarrier.arrive $0xFFFF  }
0x3a: {  	[tilespmem:s19], [sflag:$0x5] =	stream.linear.gather [hbm4b:s10+s9], $0x1400, $0x38;
	[tilespmem:$0x1E080] =	vst v63  }
0x3b: {  	_ =	swait.ge [sflag:s18], $0x1400  }
0x3c: {  	[sflag:s18] =	ssyncset.done $0x0  }
0x3d: {  	[sflag:s18] =	ssyncadd.s32 $0xFFFFEC00  }
0x3e: {  	[tilespmem:s20], [sflag:$0x5] =	stream.linear.gather [hbm4b:s11+s9], $0x1400, $0x38;
	[tilespmem:$0x1E080] =	vst v63  }
0x3f: {  	_ =	swait.ge [sflag:s18], $0x1400  }
0x40: {  	[sflag:s18] =	ssyncset.done $0x0  }
0x41: {  	[sflag:s18] =	ssyncadd.s32 $0xFFFFEC00  }
0x42: {  	[tilespmem:s17], [sflag:$0x1] =	stream.indirect.gather [hbm4b:s1+s21], $0x80, s19, s21, $0xb8;
	[tilespmem:$0x1E080] =	vst v63  }
0x43: {  	_ = 	snop  }
0x44: {  	[tilespmem:s23], [sflag:$0x2] =	stream.indirect.gather [hbm4b:s1+s21], $0x80, s22, s21, $0xb8;
	[tilespmem:$0x1E080] =	vst v63  }
0x45: {  	_ =	swait.ge [sflag:s26], $0x3E80  }
0x46: {  	[sflag:s26] =	ssyncset.done $0x0  }
0x47: {  	s7 =	simm.s32 $0x14C80;
	[sflag:s26] =	ssyncadd.s32 $0xFFFFC180  }
0x48: {  	[spmem:s2] =	stream.indirect.scatter.add.f32 [tilespmem:s17], [sflag:$0x3], $0x80, s7, s21, $0xb8;
	[tilespmem:$0x1E080] =	vst v63  }
0x49: {  	_ =	swait.ge [sflag:s28], $0x3E80  }
0x4a: {  	[sflag:s28] =	ssyncset.done $0x0  }
0x4b: {  	s8 =	simm.s32 $0x13980;
	[sflag:s28] =	ssyncadd.s32 $0xFFFFC180  }
0x4c: {  	[tilespmem:s17], [sflag:$0x1] =	stream.indirect.gather [hbm4b:s1+s21], $0x80, s8, s21, $0xb8;
	[tilespmem:$0x1E080] =	vst v63  }
0x4d: {  	_ =	swait.ge [sflag:s29], $0x3E80  }
0x4e: {  	[sflag:s29] =	ssyncset.done $0x0  }
0x4f: {  	s9 =	simm.s32 $0x14D00;
	[sflag:s29] =	ssyncadd.s32 $0xFFFFC180  }
0x50: {  	[spmem:s2] =	stream.indirect.scatter.add.f32 [tilespmem:s23], [sflag:$0x4], $0x80, s9, s21, $0xb8;
	[tilespmem:$0x1E080] =	vst v63  }
0x51: {  	_ =	swait.ge [sflag:s30], $0x3E80  }
0x52: {  	[sflag:s30] =	ssyncset.done $0x0  }
0x53: {  	s6 =	simm.s32 $0x400;
	s7 =	simm.s32 $0x13A00;
	[sflag:s30] =	ssyncadd.s32 $0xFFFFC180  }
.LBB2_4:
0x54: {  	[tilespmem:s23], [sflag:$0x2] =	stream.indirect.gather [hbm4b:s1+s21], $0x80, s7, s21, $0xb8;
	[tilespmem:$0x1E080] =	vst v63  }
0x55: {  	s7 =	smov.u32 s6  }
0x56: {  	p1 =	sne.s32 s6, $0x4800;
	s6 =	sadd.s32 $0x400, s6;
	_ =	swait.ge [sflag:s26], $0x3E80  }
0x57: {  	s7 =	sshra.s32 s7, $0x2;
	[sflag:s26] =	ssyncset.done $0x0  }
0x58: {  	s8 =	sadd.s32 $0x14C80, s7;
	[sflag:s26] =	ssyncadd.s32 $0xFFFFC180  }
0x59: {  	[spmem:s2] =	stream.indirect.scatter.add.f32 [tilespmem:s17], [sflag:$0x3], $0x80, s8, s21, $0xb8;
	[tilespmem:$0x1E080] =	vst v63  }
0x5a: {  	_ =	swait.ge [sflag:s28], $0x3E80  }
0x5b: {  	[sflag:s28] =	ssyncset.done $0x0  }
0x5c: {  	s8 =	sadd.s32 $0x13980, s7;
	[sflag:s28] =	ssyncadd.s32 $0xFFFFC180  }
0x5d: {  	[tilespmem:s17], [sflag:$0x1] =	stream.indirect.gather [hbm4b:s1+s21], $0x80, s8, s21, $0xb8;
	[tilespmem:$0x1E080] =	vst v63  }
0x5e: {  	_ =	swait.ge [sflag:s29], $0x3E80  }
0x5f: {  	[sflag:s29] =	ssyncset.done $0x0  }
.Ltmp1:
0x60: {  	s8 =	sadd.s32 $0x14D00, s7;
	[sflag:s29] =	ssyncadd.s32 $0xFFFFC180;
	(pc) =	sbr.rel @p1 .LBB2_4-.Ltmp1, $4  }
0x61: {  	[spmem:s2] =	stream.indirect.scatter.add.f32 [tilespmem:s23], [sflag:$0x4], $0x80, s8, s21, $0xb8;
	[tilespmem:$0x1E080] =	vst v63  }
0x62: {  	_ =	swait.ge [sflag:s30], $0x3E80  }
0x63: {  	[sflag:s30] =	ssyncset.done $0x0  }
0x64: {  	s7 =	sadd.s32 $0x13A00, s7;
	[sflag:s30] =	ssyncadd.s32 $0xFFFFC180  }
0x65: {  	[tilespmem:s23], [sflag:$0x2] =	stream.indirect.gather [hbm4b:s1+s21], $0x80, s7, s21, $0xb8;
	[tilespmem:$0x1E080] =	vst v63  }
0x66: {  	_ =	swait.ge [sflag:s26], $0x3E80  }
0x67: {  	[sflag:s26] =	ssyncset.done $0x0  }
0x68: {  	[sflag:s26] =	ssyncadd.s32 $0xFFFFC180  }
0x69: {  	[spmem:s2] =	stream.indirect.scatter.add.f32 [tilespmem:s17], [sflag:$0x3], $0x80, s31, s21, $0xb8;
	[tilespmem:$0x1E080] =	vst v63  }
0x6a: {  	_ =	swait.ge [sflag:s29], $0x3E80  }
0x6b: {  	[sflag:s29] =	ssyncset.done $0x0  }
0x6c: {  	[sflag:s29] =	ssyncadd.s32 $0xFFFFC180  }
0x6d: {  	[spmem:s2] =	stream.indirect.scatter.add.f32 [tilespmem:s23], [sflag:$0x4], $0x80, s0, s21, $0xb8;
	[tilespmem:$0x1E080] =	vst v63  }
0x6e: {  	_ =	swait.ge [sflag:s28], $0x3E80  }
0x6f: {  	[sflag:s28] =	ssyncset.done $0x0  }
0x70: {  	[sflag:s28] =	ssyncadd.s32 $0xFFFFC180  }
0x71: {  	_ =	swait.ge [sflag:s30], $0x3E80  }
0x72: {  	[sflag:s30] =	ssyncset.done $0x0  }
0x73: {  	s6 =	simm.s32 $0x0;
	[sflag:s30] =	ssyncadd.s32 $0xFFFFC180  }
0x74: {  	[tilespmem:s19], [sflag:$0x5] =	stream.linear.gather [hbm4b:s12+s6], $0x1400, $0x38;
	[tilespmem:$0x1E080] =	vst v63  }
0x75: {  	_ =	swait.ge [sflag:s18], $0x1400  }
0x76: {  	[sflag:s18] =	ssyncset.done $0x0  }
0x77: {  	[sflag:s18] =	ssyncadd.s32 $0xFFFFEC00  }
0x78: {  	[tilespmem:s20], [sflag:$0x5] =	stream.linear.gather [hbm4b:s13+s6], $0x1400, $0x38;
	[tilespmem:$0x1E080] =	vst v63  }
0x79: {  	_ =	swait.ge [sflag:s18], $0x1400  }
0x7a: {  	[sflag:s18] =	ssyncset.done $0x0  }
0x7b: {  	[sflag:s18] =	ssyncadd.s32 $0xFFFFEC00  }
0x7c: {  	[tilespmem:s17], [sflag:$0x1] =	stream.indirect.gather [hbm4b:s1+s21], $0x80, s19, s21, $0xb8;
	[tilespmem:$0x1E080] =	vst v63  }
0x7d: {  	_ = 	snop  }
0x7e: {  	[tilespmem:s23], [sflag:$0x2] =	stream.indirect.gather [hbm4b:s1+s21], $0x80, s22, s21, $0xb8;
	[tilespmem:$0x1E080] =	vst v63  }
0x7f: {  	_ =	swait.ge [sflag:s26], $0x3E80  }
0x80: {  	[sflag:s26] =	ssyncset.done $0x0  }
0x81: {  	s7 =	simm.s32 $0x14C80;
	[sflag:s26] =	ssyncadd.s32 $0xFFFFC180  }
0x82: {  	[spmem:s2] =	stream.indirect.scatter.add.f32 [tilespmem:s17], [sflag:$0x3], $0x80, s7, s21, $0xb8;
	[tilespmem:$0x1E080] =	vst v63  }
0x83: {  	_ =	swait.ge [sflag:s28], $0x3E80  }
0x84: {  	[sflag:s28] =	ssyncset.done $0x0  }
0x85: {  	s8 =	simm.s32 $0x13980;
	[sflag:s28] =	ssyncadd.s32 $0xFFFFC180  }
0x86: {  	[tilespmem:s17], [sflag:$0x1] =	stream.indirect.gather [hbm4b:s1+s21], $0x80, s8, s21, $0xb8;
	[tilespmem:$0x1E080] =	vst v63  }
0x87: {  	_ =	swait.ge [sflag:s29], $0x3E80  }
0x88: {  	[sflag:s29] =	ssyncset.done $0x0  }
0x89: {  	s9 =	simm.s32 $0x14D00;
	[sflag:s29] =	ssyncadd.s32 $0xFFFFC180  }
0x8a: {  	[spmem:s2] =	stream.indirect.scatter.add.f32 [tilespmem:s23], [sflag:$0x4], $0x80, s9, s21, $0xb8;
	[tilespmem:$0x1E080] =	vst v63  }
0x8b: {  	_ =	swait.ge [sflag:s30], $0x3E80  }
0x8c: {  	[sflag:s30] =	ssyncset.done $0x0  }
0x8d: {  	s6 =	simm.s32 $0x400;
	s7 =	simm.s32 $0x13A00;
	[sflag:s30] =	ssyncadd.s32 $0xFFFFC180  }
.LBB2_6:
0x8e: {  	[tilespmem:s23], [sflag:$0x2] =	stream.indirect.gather [hbm4b:s1+s21], $0x80, s7, s21, $0xb8;
	[tilespmem:$0x1E080] =	vst v63  }
0x8f: {  	s7 =	smov.u32 s6  }
0x90: {  	p1 =	sne.s32 s6, $0x4800;
	s6 =	sadd.s32 $0x400, s6;
	_ =	swait.ge [sflag:s26], $0x3E80  }
0x91: {  	s7 =	sshra.s32 s7, $0x2;
	[sflag:s26] =	ssyncset.done $0x0  }
0x92: {  	s8 =	sadd.s32 $0x14C80, s7;
	[sflag:s26] =	ssyncadd.s32 $0xFFFFC180  }
0x93: {  	[spmem:s2] =	stream.indirect.scatter.add.f32 [tilespmem:s17], [sflag:$0x3], $0x80, s8, s21, $0xb8;
	[tilespmem:$0x1E080] =	vst v63  }
0x94: {  	_ =	swait.ge [sflag:s28], $0x3E80  }
0x95: {  	[sflag:s28] =	ssyncset.done $0x0  }
0x96: {  	s8 =	sadd.s32 $0x13980, s7;
	[sflag:s28] =	ssyncadd.s32 $0xFFFFC180  }
0x97: {  	[tilespmem:s17], [sflag:$0x1] =	stream.indirect.gather [hbm4b:s1+s21], $0x80, s8, s21, $0xb8;
	[tilespmem:$0x1E080] =	vst v63  }
0x98: {  	_ =	swait.ge [sflag:s29], $0x3E80  }
0x99: {  	[sflag:s29] =	ssyncset.done $0x0  }
.Ltmp2:
0x9a: {  	s8 =	sadd.s32 $0x14D00, s7;
	[sflag:s29] =	ssyncadd.s32 $0xFFFFC180;
	(pc) =	sbr.rel @p1 .LBB2_6-.Ltmp2, $4  }
0x9b: {  	[spmem:s2] =	stream.indirect.scatter.add.f32 [tilespmem:s23], [sflag:$0x4], $0x80, s8, s21, $0xb8;
	[tilespmem:$0x1E080] =	vst v63  }
0x9c: {  	_ =	swait.ge [sflag:s30], $0x3E80  }
0x9d: {  	[sflag:s30] =	ssyncset.done $0x0  }
0x9e: {  	s7 =	sadd.s32 $0x13A00, s7;
	[sflag:s30] =	ssyncadd.s32 $0xFFFFC180  }
0x9f: {  	[tilespmem:s23], [sflag:$0x2] =	stream.indirect.gather [hbm4b:s1+s21], $0x80, s7, s21, $0xb8;
	[tilespmem:$0x1E080] =	vst v63  }
0xa0: {  	_ =	swait.ge [sflag:s26], $0x3E80  }
0xa1: {  	[sflag:s26] =	ssyncset.done $0x0  }
0xa2: {  	[sflag:s26] =	ssyncadd.s32 $0xFFFFC180  }
0xa3: {  	[spmem:s2] =	stream.indirect.scatter.add.f32 [tilespmem:s17], [sflag:$0x3], $0x80, s31, s21, $0xb8;
	[tilespmem:$0x1E080] =	vst v63  }
0xa4: {  	_ =	swait.ge [sflag:s29], $0x3E80  }
0xa5: {  	[sflag:s29] =	ssyncset.done $0x0  }
0xa6: {  	[sflag:s29] =	ssyncadd.s32 $0xFFFFC180  }
0xa7: {  	[spmem:s2] =	stream.indirect.scatter.add.f32 [tilespmem:s23], [sflag:$0x4], $0x80, s0, s21, $0xb8;
	[tilespmem:$0x1E080] =	vst v63  }
0xa8: {  	_ =	swait.ge [sflag:s28], $0x3E80  }
0xa9: {  	[sflag:s28] =	ssyncset.done $0x0  }
0xaa: {  	[sflag:s28] =	ssyncadd.s32 $0xFFFFC180  }
0xab: {  	_ =	swait.ge [sflag:s30], $0x3E80  }
0xac: {  	[sflag:s30] =	ssyncset.done $0x0  }
0xad: {  	s6 =	sshll.u32 s3, $0x6;
	[sflag:s30] =	ssyncadd.s32 $0xFFFFC180  }
0xae: {  	s6 =	sor.u32 $0x1C01, s6;
	[bflag:$0x0] =	sbarrier.arrive $0xFFFF  }
0xaf: {  	[hbm:s14], [sflag:s6] =	dma.local [spmem:s24], $0x1900  }
0xb0: {  	s6 =	sshll.u32 @!p0 s3, $0x6  }
0xb1: {  	s6 =	sor.u32 @!p0 $0x1C02, s6  }
0xb2: {  	[hbm:s15], [sflag:s6] =	dma.local @!p0 [spmem:s25], $0x1900  }
0xb3: {  	s4 =	sadd.s32 $0x1, s4;
	s6 =	simm.s32 @!p0 $0x1  }
0xb4: {  	p1 =	sne.s32 s4, s16;
	_ =	swait.ge @!p0 [sflag:s6], $0x1900  }
.Ltmp3:
0xb5: {  	s7 =	simm.s32 @!p0 $0x2;
	[sflag:s6] =	ssyncset.done @!p0 $0x0;
	(pc) =	sbr.rel @p1 .LBB2_1-.Ltmp3, $4  }
0xb6: {  	s7 =	simm.s32 @p0 $0x1;
	[sflag:s6] =	ssyncadd.s32 @!p0 $0xFFFFE700  }
0xb7: {  	_ =	swait.ge [sflag:s7], $0x1900  }
0xb8: {  	[sflag:s7] =	ssyncset.done $0x0  }
0xb9: {  	[sflag:s7] =	ssyncadd.s32 $0xFFFFE700  }
0xba: {  	_ =	sfence.sel $0x180000  }
0xbb: {  	[bflag:$0x0] =	sbarrier.arrive $0xFFFF  }
0xbc: {  	_ =	strace $0x9000004A  }
0xbd: {  	[bflag:$0x2] =	sbarrier.arrive $0xFFFF  }
0xbe: {  	p0 =	sne.s32 s3, $0x0;
	s0 =	rddreg [dreg:$0x3]  }
0xbf: {  	s0 =	sadd.s32 @!p0 $0x100000, s0  }
0xc0: {  	[sflag:s0] =	ssyncadd.tile.s32 @!p0 $0x1;
	_ =	shalt  }
.Lfunc_end2:
_tile_overlayer_lowered:
.L_overlay_start_2:
0xc1: {  	(tag) =	ssettag $0x2  }
0xc2: {  	s0 =	rddreg [dreg:$0x0];
	s2 =	stileid.u32  }
0xc3: {  	s1 =	rddreg [dreg:$0x1];
	p0 =	sne.s32 s2, $0x0  }
0xc4: {  	s3 =	rddreg [dreg:$0x2];
	[bflag:$0x3] =	sbarrier.arrive $0xFFFF;
	s2 =	simm.s32 @!p0 $0x1C05  }
0xc5: {  	[timem:s3], [sflag:s2] =	dma.local @!p0 [hbm:s0], s1  }
0xc6: {  	s0 =	simm.s32 @!p0 $0x5  }
0xc7: {  	_ =	swait.ge @!p0 [sflag:s0], s1  }
0xc8: {  	s1 =	ssub.s32 @!p0 $0x0, s1;
	[sflag:s0] =	ssyncset.done @!p0 $0x0  }
0xc9: {  	[sflag:s0] =	ssyncadd.s32 @!p0 s1  }
0xca: {  	[bflag:$0x3] =	sbarrier.arrive $0xFFFF  }
0xcb: {  	_ =	shalt  }

// kernel: kernel.8.cloned.1.call-start
scs
__scs_entry_jumppad:
0x0: {  	(pc) =	sbr.rel $0x88, $3  }
0x1: {  	(tag) =	ssettag $0x0;
	lr =	simm.s32 $0x1  }
0x2: {  	[smem:$0x3F97] =	sst lr;
	_ =	strace $0xD0000000  }
0x3: {  	_ = 	snop  }
0x4: {  	_ = 	snop  }
0x5: {  	_ = 	snop  }
0x6: {  	_ = 	snop  }
0x7: {  	_ = 	snop  }
__scs_overlays_trampoline_lowered:
0x8: {  	[smem:$0x3FA6] =	sst s0  }
0x9: {  	[smem:$0x3FA7] =	sst s1  }
0xa: {  	[smem:$0x3FA8] =	sst s2  }
0xb: {  	[smem:$0x3FA9] =	sst s3  }
0xc: {  	[smem:$0x3FAA] =	sst s4  }
0xd: {  	[smem:$0x3FAB] =	sst s5  }
0xe: {  	[smem:$0x3FAC] =	sst s6  }
0xf: {  	[smem:$0x3FAD] =	sst s7  }
0x10: {  	[smem:$0x3FAE] =	sst s8  }
0x11: {  	[smem:$0x3FAF] =	sst s9;
	s0 =	simm.s32 @!p0 $0x0  }
0x12: {  	s1 =	sld [smem:$0x3F95];
	s0 =	simm.s32 @p0 $0x1  }
0x13: {  	[smem:$0x3FB0] =	sst s0;
	s0 =	simm.s32 @!p1 $0x0  }
0x14: {  	s2 =	sld [smem:$0x3F94];
	s0 =	simm.s32 @p1 $0x1  }
0x15: {  	[smem:$0x3FB1] =	sst s0;
	s0 =	simm.s32 @!p2 $0x0  }
0x16: {  	s3 =	sld [smem:$0x3FDB];
	s0 =	simm.s32 @p2 $0x1  }
0x17: {  	s4 =	simm.s32 $0x1BF5;
	[smem:$0x3FB3] =	sst s0  }
0x18: {  	s0 =	sld [smem:$0x3F96];
	_ =	swait.ge [sflag:s4], $0x0  }
0x19: {  	s7 =	sld [smem:$0x3F97]  }
0x1a: {  	s8 =	sadd.s32 $0xFFFFE003, lr  }
0x1b: {  	s9 =	sadd.s32 $0xFFFFFEF7, lr;
	s5 =	simm.s32 $0xFFFFFFFF;
	p2 =	slt.u32 s8, $0xFFFFF086  }
0x1c: {  	p1 =	slt.u32 s9, $0xF7A;
	s5 =	simm.s32 @!p2 $0x0  }
0x1d: {  	s5 =	simm.s32 @p1 $0x1;
	p0 =	seq.s32 s7, s2  }
0x1e: {  	s7 =	smul.u32 @!p0 $0xF7A, s2;
	p2 =	seq.s32 @!p0 s5, $0x0  }
0x1f: {  	s9 =	smul.u32 $0xF7A, s1;
	s8 =	simm.s32 @!p0 $0x1BF5;
	p2 =	por !p2, p0  }
0x20: {  	[sflag:s8] =	ssyncset.s32 @!p0 $0xFFFFF086;
	s6 =	sadd.s32 @!p0 s3, s7;
	s7 =	simm.s32 @!p0 $0x108  }
0x21: {  	s3 =	sadd.s32 s3, s9;
	s6 =	sadd.s32 @!p0 $0x88, s6;
	s7 =	simm.s32 @p2 $0x1082  }
0x22: {  	[simem:s7], [sflag:s8] =	dma.local @!p0 [hbm:s6], $0xF7A  }
0x23: {  	s9 =	sor.u32 $0xD0000000, s2;
	s6 =	simm.s32 $0x108;
	_ =	swait.ge @!p0 [sflag:s8], $0x0  }
0x24: {  	s3 =	sadd.s32 $0x88, s3;
	s6 =	simm.s32 @!p1 $0x1082;
	[sflag:s4] =	ssyncset.s32 $0xFFFFF086  }
0x25: {  	[simem:s6], [sflag:s4] =	dma.local [hbm:s3], $0xF7A  }
0x26: {  	[smem:$0x3F97] =	sst s1;
	(tag) =	ssettag s2;
	_ =	strace s9  }
0x27: {  	s1 =	sld [smem:$0x3FA7]  }
0x28: {  	s2 =	sld [smem:$0x3FA8]  }
0x29: {  	s4 =	sld [smem:$0x3FAA]  }
0x2a: {  	p0 =	seq.s32 s5, $0x0;
	s5 =	sld [smem:$0x3FAB]  }
0x2b: {  	s6 =	sld [smem:$0x3FAC]  }
0x2c: {  	s7 =	sld [smem:$0x3FAD]  }
0x2d: {  	s3 =	simm.s32 $0x108;
	s8 =	sld [smem:$0x3FAE]  }
0x2e: {  	s3 =	simm.s32 @!p0 $0x1082;
	s9 =	sld [smem:$0x3FAF]  }
0x2f: {  	lr =	sadd.s32 s0, s3;
	s0 =	sld [smem:$0x3FA6]  }
0x30: {  	s3 =	sld [smem:$0x3FA9]  }
0x31: {  	[smem:$0x3FB2] =	sst s10  }
0x32: {  	s10 =	sld [smem:$0x3FB0];
	_ =	sdelay $0x3  }
0x33: {  	p0 =	seq.s32 s10, $0x1;
	s10 =	sld [smem:$0x3FB2];
	_ =	sdelay $0x3  }
0x34: {  	[smem:$0x3FB2] =	sst s10  }
0x35: {  	s10 =	sld [smem:$0x3FB1];
	_ =	sdelay $0x3  }
0x36: {  	p1 =	seq.s32 s10, $0x1;
	s10 =	sld [smem:$0x3FB2];
	_ =	sdelay $0x3  }
0x37: {  	[smem:$0x3FB2] =	sst s10  }
0x38: {  	s10 =	sld [smem:$0x3FB3]  }
0x39: {  	_ = 	snop;
	(pc) =	sbr.ind lr, $3  }
0x3a: {  	_ = 	snop  }
0x3b: {  	_ = 	snop  }
0x3c: {  	p2 =	seq.s32 s10, $0x1;
	s10 =	sld [smem:$0x3FB2]  }
0x3d: {  	_ =	shalt  }
0x3e: {  	_ =	shalt  }
0x3f: {  	_ =	shalt  }
0x40: {  	_ =	shalt  }
0x41: {  	_ =	shalt  }
0x42: {  	_ =	shalt  }
0x43: {  	_ =	shalt  }
0x44: {  	_ =	shalt  }
0x45: {  	_ =	shalt  }
0x46: {  	_ =	shalt  }
0x47: {  	_ =	shalt  }
0x48: {  	_ =	shalt  }
0x49: {  	_ =	shalt  }
0x4a: {  	_ =	shalt  }
0x4b: {  	_ =	shalt  }
0x4c: {  	_ =	shalt  }
0x4d: {  	_ =	shalt  }
0x4e: {  	_ =	shalt  }
0x4f: {  	_ =	shalt  }
0x50: {  	_ =	shalt  }
0x51: {  	_ =	shalt  }
0x52: {  	_ =	shalt  }
0x53: {  	_ =	shalt  }
0x54: {  	_ =	shalt  }
0x55: {  	_ =	shalt  }
0x56: {  	_ =	shalt  }
0x57: {  	_ =	shalt  }
0x58: {  	_ =	shalt  }
0x59: {  	_ =	shalt  }
0x5a: {  	_ =	shalt  }
0x5b: {  	_ =	shalt  }
0x5c: {  	_ =	shalt  }
0x5d: {  	_ =	shalt  }
0x5e: {  	_ =	shalt  }
0x5f: {  	_ =	shalt  }
0x60: {  	_ =	shalt  }
0x61: {  	_ =	shalt  }
0x62: {  	_ =	shalt  }
0x63: {  	_ =	shalt  }
0x64: {  	_ =	shalt  }
0x65: {  	_ =	shalt  }
0x66: {  	_ =	shalt  }
0x67: {  	_ =	shalt  }
0x68: {  	_ =	shalt  }
0x69: {  	_ =	shalt  }
0x6a: {  	_ =	shalt  }
0x6b: {  	_ =	shalt  }
0x6c: {  	_ =	shalt  }
0x6d: {  	_ =	shalt  }
0x6e: {  	_ =	shalt  }
0x6f: {  	_ =	shalt  }
0x70: {  	_ =	shalt  }
0x71: {  	_ =	shalt  }
0x72: {  	_ =	shalt  }
0x73: {  	_ =	shalt  }
0x74: {  	_ =	shalt  }
0x75: {  	_ =	shalt  }
0x76: {  	_ =	shalt  }
0x77: {  	_ =	shalt  }
0x78: {  	_ =	shalt  }
0x79: {  	_ =	shalt  }
0x7a: {  	_ =	shalt  }
0x7b: {  	_ =	shalt  }
0x7c: {  	_ =	shalt  }
0x7d: {  	_ =	shalt  }
0x7e: {  	_ =	shalt  }
0x7f: {  	_ =	shalt  }
0x80: {  	_ =	shalt  }
0x81: {  	_ =	shalt  }
0x82: {  	_ =	shalt  }
0x83: {  	_ =	shalt  }
0x84: {  	_ =	shalt  }
0x85: {  	_ =	shalt  }
0x86: {  	_ =	shalt  }
0x87: {  	_ =	shalt  }
.Lfunc_end0:
.L_simem_size_0:
called_computation_lowered:
.L_overlay_start_0:
0x88: {  	s2 =	sld [smem:$0x3FD9]  }
0x89: {  	s3 =	sld [smem:$0x3FFE];
	_ =	sdelay $0x1  }
0x8a: {  	s1 =	srdreg.scid  }
0x8b: {  	s0 =	sand.u32 $0x1, s1  }
0x8c: {  	s17 =	sshll.u32 s0, $0xA;
	s2 =	sadd.s32 s3, s2  }
0x8d: {  	s2 =	sadd.s32 s2, s17  }
0x8e: {  	[smem:$0x3FBE] =	sst s2  }
0x8f: {  	_ = 	snop  }
0x90: {  	s2 =	sld [smem:$0x3FC9];
	(tm) =	ssettm $0x1  }
0x91: {  	s18 =	sld [smem:$0x3FFB];
	_ =	sdelay $0x3  }
0x92: {  	_ =	strace s18  }
0x93: {  	s3 =	sld [smem:$0x3FFC];
	_ =	sdelay $0x3  }
0x94: {  	_ =	strace s3  }
0x95: {  	s3 =	sld [smem:$0x3FFD];
	_ =	sdelay $0x3  }
0x96: {  	_ =	strace s3  }
0x97: {  	_ =	strace $0x8FFFFFFF  }
0x98: {  	s19 =	sld [smem:$0x3FDB];
	_ =	sdelay $0x1  }
0x99: {  	s4 =	simm.s32 $_scs_section_size  }
0x9a: {  	s5 =	simm.s32 $_size__tile_overlayer_lowered;
	s6 =	simm.s32 $_tile_overlayer_lowered  }
0x9b: {  	s22 =	simm.s32 $0x1BFF;
	s21 =	sshll.u32 s6, $0x1;
	s3 =	sadd.s32 s4, s19  }
0x9c: {  	s7 =	simm.s32 $0x0;
	s20 =	sshll.u32 s5, $0x1;
	s5 =	sadd.s32 s21, s3  }
0x9d: {  	[timem:s7], [sflag:s22] =	dma.local [hbm:s5], s20  }
0x9e: {  	_ =	swait.ge [sflag:s22], s20  }
0x9f: {  	s4 =	ssub.s32 $0x0, s20;
	[sflag:s22] =	ssyncset.done $0x0  }
0xa0: {  	[sflag:s22] =	ssyncadd.s32 s4;
	_ =	sdelay $0x1  }
0xa1: {  	s23 =	simm.s32 $0x1B8B  }
0xa2: {  	_ =	swait.ge [sflag:s23], $0x1  }
0xa3: {  	[sflag:s23] =	ssyncset.done $0x0  }
0xa4: {  	s25 =	simm.s32 $0x1B8E;
	s24 =	sld [smem:$0x3FFE];
	[sflag:s23] =	ssyncadd.s32 $0xFFFFFFFF  }
0xa5: {  	s26 =	simm.s32 $execute0_lowered;
	[smem:$0x3FD2] =	sst s25  }
0xa6: {  	s5 =	sshll.u32 s26, $0x1;
	_ =	strace $0x80000046;
	[dreg:$0x1] =	wrdreg $0xFFFFFFFF  }
0xa7: {  	s28 =	simm.s32 $_size_execute0_lowered;
	s3 =	sadd.s32 s3, s5;
	[dreg:$0x0] =	wrdreg $0x0  }
0xa8: {  	s5 =	sshll.u32 s28, $0x1;
	[dreg:$0x2] =	wrdreg s3  }
0xa9: {  	[dreg:$0x3] =	wrdreg s5  }
0xaa: {  	[dreg:$0x4] =	wrdreg $0xC0  }
0xab: {  	_ =	task [dreg:s7], $0x5FFFF  }
0xac: {  	[dreg:$0x1] =	wrdreg $0xFFFFFFFF  }
0xad: {  	[dreg:$0x0] =	wrdreg $0x60  }
0xae: {  	[dreg:$0x2] =	wrdreg s2  }
0xaf: {  	[dreg:$0x3] =	wrdreg s24  }
0xb0: {  	[dreg:$0x4] =	wrdreg $0x0  }
0xb1: {  	[dreg:$0x5] =	wrdreg $0x9  }
0xb2: {  	_ =	task.clear_ibuf [dreg:s7], $0x6FFFF;
	_ =	strace $0x90000046  }
0xb3: {  	s29 =	simm.s32 $0x9;
	_ =	strace $0x80000048  }
0xb4: {  	_ =	swait.ge [sflag:s29], $0x1  }
0xb5: {  	[sflag:s29] =	ssyncadd.s32 $0xFFFFFFFF  }
0xb6: {  	_ =	strace $0x90000048  }
0xb7: {  	_ =	sfence  }
0xb8: {  	s30 =	sld [smem:$0x0];
	_ =	sdelay $0x2  }
0xb9: {  	s31 =	sshll.u32 s1, $0xD;
	s1 =	sshrl.u32 s1, $0x2  }
0xba: {  	s3 =	sand.u32 $0x4000, s31;
	s1 =	sadd.s32 s1, s30  }
0xbb: {  	s0 =	sor.u32 s3, s0;
	s1 =	sshll.u32 s1, $0x11  }
0xbc: {  	s0 =	sor.u32 s1, s0  }
0xbd: {  	s0 =	sadd.s32 $0x8F2B, s0  }
0xbe: {  	[sflag:s0] =	ssyncadd.remote.s32 $0x1  }
0xbf: {  	_ =	sfence.sel $0xFFFF  }
0xc0: {  	[dreg:$0x0] =	wrdreg $0xFFFFFFFF;
	(pc) =	sbr.abs _section_cstart, $3  }
0xc1: {  	[dreg:$0x1] =	wrdreg $0xFFFFFFFF  }
0xc2: {  	_ =	task.clear_ibuf [dreg:s7], $0x2FFFF;
	_ =	strace $0x9FFFFFFF  }
0xc3: {  	(tm) =	ssettm $0x7FFFFFFF  }
tec
execute0_lowered:
.L_overlay_start_1:
0x0: {  	(tag) =	ssettag $0x1  }
0x1: {  	s1 =	rddreg [dreg:$0x0]  }
0x2: {  	s0 =	rddreg [dreg:$0x1]  }
0x3: {  	s2 =	rddreg [dreg:$0x2]  }
0x4: {  	s3 =	simm.s32 $0x0;
	s4 =	srdreg.scid;
	s18 =	simm.s32 $0x5  }
0x5: {  	s19 =	simm.s32 $0x13880;
	s28 =	simm.s32 $0x3;
	s29 =	simm.s32 $0x2  }
0x6: {  	s30 =	simm.s32 $0x4;
	[smem:$0x7FF] =	sst s3;
	s3 =	stileid.u32  }
0x7: {  	s31 =	simm.s32 $0x15F80;
	s4 =	sand.u32 $0x1, s4;
	s5 =	smul.u32 $0x4E200, s3  }
0x8: {  	s8 =	sshll.u32 s4, $0x4;
	s9 =	ssub.s32 $0x2, s4;
	s4 =	smul.u32 $0x138800, s4  }
0x9: {  	s6 =	sadd.s32 $0xBE00, s0;
	s7 =	sadd.s32 $0x1E00, s0;
	s14 =	smul.u32 $0xC800, s3  }
0xa: {  	s0 =	sadd.s32 $0x15E00, s0;
	_ =	strace $0x80000047;
	s25 =	smul.u32 $0x32000, s3  }
0xb: {  	p0 =	sgt.u32 s3, $0x8;
	s8 =	sor.u32 s3, s8;
	s10 =	sshrl.u32 s9, $0x1  }
0xc: {  	s5 =	sshrl.u32 s5, $0x2;
	s8 =	smul.u32 $0x2800, s8;
	s16 =	ssub.s32 s9, s10  }
0xd: {  	s24 =	sadd.s32 s14, s4;
	s17 =	sadd.s32 $0xC8000, s14;
	s5 =	sadd.s32 s5, s2  }
0xe: {  	s26 =	sshrl.u32 s25, $0x2;
	s4 =	sadd.s32 s4, s17;
	s20 =	sadd.s32 $0x3E80, s5  }
0xf: {  	s16 =	smax.u32 s16, $0x1;
	s21 =	sadd.s32 $0x7D00, s5;
	[dreg:$0x4] =	wrdreg s20  }
0x10: {  	s22 =	sadd.s32 $0xBB80, s5;
	s8 =	sshrl.u32 s8, $0x3;
	[dreg:$0x5] =	wrdreg s21  }
0x11: {  	s23 =	sadd.s32 $0xFA00, s5;
	s4 =	sshrl.u32 s4, $0x3;
	[dreg:$0x6] =	wrdreg s22  }
0x12: {  	[dreg:$0x7] =	wrdreg s23;
	s13 =	sadd.s32 $0x280, s8;
	s10 =	sadd.s32 s6, s8  }
0x13: {  	s11 =	sadd.s32 s7, s8;
	s15 =	sadd.s32 s0, s4;
	s20 =	simm.s32 $0x14C80  }
0x14: {  	s21 =	simm.s32 $0x7D;
	s22 =	simm.s32 $0x13900;
	s23 =	simm.s32 $0x1A080  }
0x15: {  	s4 =	simm.s32 $0x0;
	s12 =	sadd.s32 s6, s13;
	s6 =	sshrl.u32 s24, $0x3  }
0x16: {  	s13 =	sadd.s32 s7, s13;
	s14 =	sadd.s32 s0, s6;
	s6 =	sadd.s32 s26, s2  }
0x17: {  	s0 =	sadd.s32 s17, s2;
	s17 =	simm.s32 $0x16080;
	s26 =	simm.s32 $0x1  }
0x18: {  	v0 =	vimm.f32 $0.0e+00;
	s24 =	sshrl.u32 s6, $0x3;
	s25 =	sshrl.u32 @!p0 s0, $0x3;
	s0 =	simm.s32 $0x16000  }
.LBB2_1:
0x19: {  	s7 =	simm.s32 $0x0  }
0x1a: {  	s6 =	sand.u32 $0xFE00, s7  }
0x1b: {  	s7 =	sand.u32 $0x70, s7;
	s8 =	sshrl.u32 s6, $0x2  }
0x1c: {  	s6 =	simm.s32 $0x40;
	s8 =	sor.u32 s7, s8;
	s7 =	simm.s32 $0x0  }
.LBB2_2:
0x1d: {  	p1 =	sne.s32 s6, $0xF9C0  }
0x1e: {  	[tilespmem:s8+$0x16080] =	vst v0;
	s7 =	sadd.s32 $0x10, s7;
	s8 =	smov.u32 s6;
	s6 =	sadd.s32 $0x40, s6  }
.Ltmp0:
0x1f: {  	(pc) =	sbr.rel @p1 .LBB2_2-.Ltmp0, $4  }
0x20: {  	_ = 	snop  }
0x21: {  	s8 =	sand.u32 $0xFE00, s8  }
0x22: {  	s9 =	sand.u32 $0x70, s7;
	s8 =	sshrl.u32 s8, $0x2  }
0x23: {  	s8 =	sor.u32 s9, s8  }
0x24: {  	[tilespmem:s8+$0x16080] =	vst v0  }
0x25: {  	[spmem:s5] =	stream.linear.scatter [tilespmem:s17], [sflag:$0x5], $0x3E80, $0x38;
	[tilespmem:$0x1E080] =	vst v63  }
0x26: {  	_ =	swait.ge [sflag:s18], $0x3E80  }
0x27: {  	[sflag:s18] =	ssyncset.done $0x0  }
0x28: {  	s6 =	rddreg [dreg:$0x4];
	[sflag:s18] =	ssyncadd.s32 $0xFFFFC180  }
0x29: {  	[spmem:s6] =	stream.linear.scatter [tilespmem:s17], [sflag:$0x5], $0x3E80, $0x38;
	[tilespmem:$0x1E080] =	vst v63  }
0x2a: {  	_ =	swait.ge [sflag:s18], $0x3E80  }
0x2b: {  	[sflag:s18] =	ssyncset.done $0x0  }
0x2c: {  	s9 =	rddreg [dreg:$0x5];
	[sflag:s18] =	ssyncadd.s32 $0xFFFFC180  }
0x2d: {  	[spmem:s9] =	stream.linear.scatter [tilespmem:s17], [sflag:$0x5], $0x3E80, $0x38;
	[tilespmem:$0x1E080] =	vst v63  }
0x2e: {  	_ =	swait.ge [sflag:s18], $0x3E80  }
0x2f: {  	[sflag:s18] =	ssyncset.done $0x0  }
0x30: {  	s7 =	rddreg [dreg:$0x6];
	[sflag:s18] =	ssyncadd.s32 $0xFFFFC180  }
0x31: {  	[spmem:s7] =	stream.linear.scatter [tilespmem:s17], [sflag:$0x5], $0x3E80, $0x38;
	[tilespmem:$0x1E080] =	vst v63  }
0x32: {  	_ =	swait.ge [sflag:s18], $0x3E80  }
0x33: {  	[sflag:s18] =	ssyncset.done $0x0  }
0x34: {  	s8 =	rddreg [dreg:$0x7];
	[sflag:s18] =	ssyncadd.s32 $0xFFFFC180  }
0x35: {  	[spmem:s8] =	stream.linear.scatter [tilespmem:s17], [sflag:$0x5], $0x3E80, $0x38;
	[tilespmem:$0x1E080] =	vst v63  }
0x36: {  	_ =	swait.ge [sflag:s18], $0x3E80  }
0x37: {  	[sflag:s18] =	ssyncset.done $0x0  }
0x38: {  	[sflag:s18] =	ssyncadd.s32 $0xFFFFC180  }
0x39: {  	s9 =	simm.s32 $0x0;
	[bflag:$0x0] =	sbarrier.arrive $0xFFFF  }
0x3a: {  	[tilespmem:s19], [sflag:$0x5] =	stream.linear.gather [hbm4b:s10+s9], $0x1400, $0x38;
	[tilespmem:$0x1E080] =	vst v63  }
0x3b: {  	_ =	swait.ge [sflag:s18], $0x1400  }
0x3c: {  	[sflag:s18] =	ssyncset.done $0x0  }
0x3d: {  	[sflag:s18] =	ssyncadd.s32 $0xFFFFEC00  }
0x3e: {  	[tilespmem:s20], [sflag:$0x5] =	stream.linear.gather [hbm4b:s11+s9], $0x1400, $0x38;
	[tilespmem:$0x1E080] =	vst v63  }
0x3f: {  	_ =	swait.ge [sflag:s18], $0x1400  }
0x40: {  	[sflag:s18] =	ssyncset.done $0x0  }
0x41: {  	[sflag:s18] =	ssyncadd.s32 $0xFFFFEC00  }
0x42: {  	[tilespmem:s17], [sflag:$0x1] =	stream.indirect.gather [hbm4b:s1+s21], $0x80, s19, s21, $0xb8;
	[tilespmem:$0x1E080] =	vst v63  }
0x43: {  	_ = 	snop  }
0x44: {  	[tilespmem:s23], [sflag:$0x2] =	stream.indirect.gather [hbm4b:s1+s21], $0x80, s22, s21, $0xb8;
	[tilespmem:$0x1E080] =	vst v63  }
0x45: {  	_ =	swait.ge [sflag:s26], $0x3E80  }
0x46: {  	[sflag:s26] =	ssyncset.done $0x0  }
0x47: {  	s7 =	simm.s32 $0x14C80;
	[sflag:s26] =	ssyncadd.s32 $0xFFFFC180  }
0x48: {  	[spmem:s2] =	stream.indirect.scatter.add.f32 [tilespmem:s17], [sflag:$0x3], $0x80, s7, s21, $0xb8;
	[tilespmem:$0x1E080] =	vst v63  }
0x49: {  	_ =	swait.ge [sflag:s28], $0x3E80  }
0x4a: {  	[sflag:s28] =	ssyncset.done $0x0  }
0x4b: {  	s8 =	simm.s32 $0x13980;
	[sflag:s28] =	ssyncadd.s32 $0xFFFFC180  }
0x4c: {  	[tilespmem:s17], [sflag:$0x1] =	stream.indirect.gather [hbm4b:s1+s21], $0x80, s8, s21, $0xb8;
	[tilespmem:$0x1E080] =	vst v63  }
0x4d: {  	_ =	swait.ge [sflag:s29], $0x3E80  }
0x4e: {  	[sflag:s29] =	ssyncset.done $0x0  }
0x4f: {  	s9 =	simm.s32 $0x14D00;
	[sflag:s29] =	ssyncadd.s32 $0xFFFFC180  }
0x50: {  	[spmem:s2] =	stream.indirect.scatter.add.f32 [tilespmem:s23], [sflag:$0x4], $0x80, s9, s21, $0xb8;
	[tilespmem:$0x1E080] =	vst v63  }
0x51: {  	_ =	swait.ge [sflag:s30], $0x3E80  }
0x52: {  	[sflag:s30] =	ssyncset.done $0x0  }
0x53: {  	s6 =	simm.s32 $0x400;
	s7 =	simm.s32 $0x13A00;
	[sflag:s30] =	ssyncadd.s32 $0xFFFFC180  }
.LBB2_4:
0x54: {  	[tilespmem:s23], [sflag:$0x2] =	stream.indirect.gather [hbm4b:s1+s21], $0x80, s7, s21, $0xb8;
	[tilespmem:$0x1E080] =	vst v63  }
0x55: {  	s7 =	smov.u32 s6  }
0x56: {  	p1 =	sne.s32 s6, $0x4800;
	s6 =	sadd.s32 $0x400, s6;
	_ =	swait.ge [sflag:s26], $0x3E80  }
0x57: {  	s7 =	sshra.s32 s7, $0x2;
	[sflag:s26] =	ssyncset.done $0x0  }
0x58: {  	s8 =	sadd.s32 $0x14C80, s7;
	[sflag:s26] =	ssyncadd.s32 $0xFFFFC180  }
0x59: {  	[spmem:s2] =	stream.indirect.scatter.add.f32 [tilespmem:s17], [sflag:$0x3], $0x80, s8, s21, $0xb8;
	[tilespmem:$0x1E080] =	vst v63  }
0x5a: {  	_ =	swait.ge [sflag:s28], $0x3E80  }
0x5b: {  	[sflag:s28] =	ssyncset.done $0x0  }
0x5c: {  	s8 =	sadd.s32 $0x13980, s7;
	[sflag:s28] =	ssyncadd.s32 $0xFFFFC180  }
0x5d: {  	[tilespmem:s17], [sflag:$0x1] =	stream.indirect.gather [hbm4b:s1+s21], $0x80, s8, s21, $0xb8;
	[tilespmem:$0x1E080] =	vst v63  }
0x5e: {  	_ =	swait.ge [sflag:s29], $0x3E80  }
0x5f: {  	[sflag:s29] =	ssyncset.done $0x0  }
.Ltmp1:
0x60: {  	s8 =	sadd.s32 $0x14D00, s7;
	[sflag:s29] =	ssyncadd.s32 $0xFFFFC180;
	(pc) =	sbr.rel @p1 .LBB2_4-.Ltmp1, $4  }
0x61: {  	[spmem:s2] =	stream.indirect.scatter.add.f32 [tilespmem:s23], [sflag:$0x4], $0x80, s8, s21, $0xb8;
	[tilespmem:$0x1E080] =	vst v63  }
0x62: {  	_ =	swait.ge [sflag:s30], $0x3E80  }
0x63: {  	[sflag:s30] =	ssyncset.done $0x0  }
0x64: {  	s7 =	sadd.s32 $0x13A00, s7;
	[sflag:s30] =	ssyncadd.s32 $0xFFFFC180  }
0x65: {  	[tilespmem:s23], [sflag:$0x2] =	stream.indirect.gather [hbm4b:s1+s21], $0x80, s7, s21, $0xb8;
	[tilespmem:$0x1E080] =	vst v63  }
0x66: {  	_ =	swait.ge [sflag:s26], $0x3E80  }
0x67: {  	[sflag:s26] =	ssyncset.done $0x0  }
0x68: {  	[sflag:s26] =	ssyncadd.s32 $0xFFFFC180  }
0x69: {  	[spmem:s2] =	stream.indirect.scatter.add.f32 [tilespmem:s17], [sflag:$0x3], $0x80, s31, s21, $0xb8;
	[tilespmem:$0x1E080] =	vst v63  }
0x6a: {  	_ =	swait.ge [sflag:s29], $0x3E80  }
0x6b: {  	[sflag:s29] =	ssyncset.done $0x0  }
0x6c: {  	[sflag:s29] =	ssyncadd.s32 $0xFFFFC180  }
0x6d: {  	[spmem:s2] =	stream.indirect.scatter.add.f32 [tilespmem:s23], [sflag:$0x4], $0x80, s0, s21, $0xb8;
	[tilespmem:$0x1E080] =	vst v63  }
0x6e: {  	_ =	swait.ge [sflag:s28], $0x3E80  }
0x6f: {  	[sflag:s28] =	ssyncset.done $0x0  }
0x70: {  	[sflag:s28] =	ssyncadd.s32 $0xFFFFC180  }
0x71: {  	_ =	swait.ge [sflag:s30], $0x3E80  }
0x72: {  	[sflag:s30] =	ssyncset.done $0x0  }
0x73: {  	s6 =	simm.s32 $0x0;
	[sflag:s30] =	ssyncadd.s32 $0xFFFFC180  }
0x74: {  	[tilespmem:s19], [sflag:$0x5] =	stream.linear.gather [hbm4b:s12+s6], $0x1400, $0x38;
	[tilespmem:$0x1E080] =	vst v63  }
0x75: {  	_ =	swait.ge [sflag:s18], $0x1400  }
0x76: {  	[sflag:s18] =	ssyncset.done $0x0  }
0x77: {  	[sflag:s18] =	ssyncadd.s32 $0xFFFFEC00  }
0x78: {  	[tilespmem:s20], [sflag:$0x5] =	stream.linear.gather [hbm4b:s13+s6], $0x1400, $0x38;
	[tilespmem:$0x1E080] =	vst v63  }
0x79: {  	_ =	swait.ge [sflag:s18], $0x1400  }
0x7a: {  	[sflag:s18] =	ssyncset.done $0x0  }
0x7b: {  	[sflag:s18] =	ssyncadd.s32 $0xFFFFEC00  }
0x7c: {  	[tilespmem:s17], [sflag:$0x1] =	stream.indirect.gather [hbm4b:s1+s21], $0x80, s19, s21, $0xb8;
	[tilespmem:$0x1E080] =	vst v63  }
0x7d: {  	_ = 	snop  }
0x7e: {  	[tilespmem:s23], [sflag:$0x2] =	stream.indirect.gather [hbm4b:s1+s21], $0x80, s22, s21, $0xb8;
	[tilespmem:$0x1E080] =	vst v63  }
0x7f: {  	_ =	swait.ge [sflag:s26], $0x3E80  }
0x80: {  	[sflag:s26] =	ssyncset.done $0x0  }
0x81: {  	s7 =	simm.s32 $0x14C80;
	[sflag:s26] =	ssyncadd.s32 $0xFFFFC180  }
0x82: {  	[spmem:s2] =	stream.indirect.scatter.add.f32 [tilespmem:s17], [sflag:$0x3], $0x80, s7, s21, $0xb8;
	[tilespmem:$0x1E080] =	vst v63  }
0x83: {  	_ =	swait.ge [sflag:s28], $0x3E80  }
0x84: {  	[sflag:s28] =	ssyncset.done $0x0  }
0x85: {  	s8 =	simm.s32 $0x13980;
	[sflag:s28] =	ssyncadd.s32 $0xFFFFC180  }
0x86: {  	[tilespmem:s17], [sflag:$0x1] =	stream.indirect.gather [hbm4b:s1+s21], $0x80, s8, s21, $0xb8;
	[tilespmem:$0x1E080] =	vst v63  }
0x87: {  	_ =	swait.ge [sflag:s29], $0x3E80  }
0x88: {  	[sflag:s29] =	ssyncset.done $0x0  }
0x89: {  	s9 =	simm.s32 $0x14D00;
	[sflag:s29] =	ssyncadd.s32 $0xFFFFC180  }
0x8a: {  	[spmem:s2] =	stream.indirect.scatter.add.f32 [tilespmem:s23], [sflag:$0x4], $0x80, s9, s21, $0xb8;
	[tilespmem:$0x1E080] =	vst v63  }
0x8b: {  	_ =	swait.ge [sflag:s30], $0x3E80  }
0x8c: {  	[sflag:s30] =	ssyncset.done $0x0  }
0x8d: {  	s6 =	simm.s32 $0x400;
	s7 =	simm.s32 $0x13A00;
	[sflag:s30] =	ssyncadd.s32 $0xFFFFC180  }
.LBB2_6:
0x8e: {  	[tilespmem:s23], [sflag:$0x2] =	stream.indirect.gather [hbm4b:s1+s21], $0x80, s7, s21, $0xb8;
	[tilespmem:$0x1E080] =	vst v63  }
0x8f: {  	s7 =	smov.u32 s6  }
0x90: {  	p1 =	sne.s32 s6, $0x4800;
	s6 =	sadd.s32 $0x400, s6;
	_ =	swait.ge [sflag:s26], $0x3E80  }
0x91: {  	s7 =	sshra.s32 s7, $0x2;
	[sflag:s26] =	ssyncset.done $0x0  }
0x92: {  	s8 =	sadd.s32 $0x14C80, s7;
	[sflag:s26] =	ssyncadd.s32 $0xFFFFC180  }
0x93: {  	[spmem:s2] =	stream.indirect.scatter.add.f32 [tilespmem:s17], [sflag:$0x3], $0x80, s8, s21, $0xb8;
	[tilespmem:$0x1E080] =	vst v63  }
0x94: {  	_ =	swait.ge [sflag:s28], $0x3E80  }
0x95: {  	[sflag:s28] =	ssyncset.done $0x0  }
0x96: {  	s8 =	sadd.s32 $0x13980, s7;
	[sflag:s28] =	ssyncadd.s32 $0xFFFFC180  }
0x97: {  	[tilespmem:s17], [sflag:$0x1] =	stream.indirect.gather [hbm4b:s1+s21], $0x80, s8, s21, $0xb8;
	[tilespmem:$0x1E080] =	vst v63  }
0x98: {  	_ =	swait.ge [sflag:s29], $0x3E80  }
0x99: {  	[sflag:s29] =	ssyncset.done $0x0  }
.Ltmp2:
0x9a: {  	s8 =	sadd.s32 $0x14D00, s7;
	[sflag:s29] =	ssyncadd.s32 $0xFFFFC180;
	(pc) =	sbr.rel @p1 .LBB2_6-.Ltmp2, $4  }
0x9b: {  	[spmem:s2] =	stream.indirect.scatter.add.f32 [tilespmem:s23], [sflag:$0x4], $0x80, s8, s21, $0xb8;
	[tilespmem:$0x1E080] =	vst v63  }
0x9c: {  	_ =	swait.ge [sflag:s30], $0x3E80  }
0x9d: {  	[sflag:s30] =	ssyncset.done $0x0  }
0x9e: {  	s7 =	sadd.s32 $0x13A00, s7;
	[sflag:s30] =	ssyncadd.s32 $0xFFFFC180  }
0x9f: {  	[tilespmem:s23], [sflag:$0x2] =	stream.indirect.gather [hbm4b:s1+s21], $0x80, s7, s21, $0xb8;
	[tilespmem:$0x1E080] =	vst v63  }
0xa0: {  	_ =	swait.ge [sflag:s26], $0x3E80  }
0xa1: {  	[sflag:s26] =	ssyncset.done $0x0  }
0xa2: {  	[sflag:s26] =	ssyncadd.s32 $0xFFFFC180  }
0xa3: {  	[spmem:s2] =	stream.indirect.scatter.add.f32 [tilespmem:s17], [sflag:$0x3], $0x80, s31, s21, $0xb8;
	[tilespmem:$0x1E080] =	vst v63  }
0xa4: {  	_ =	swait.ge [sflag:s29], $0x3E80  }
0xa5: {  	[sflag:s29] =	ssyncset.done $0x0  }
0xa6: {  	[sflag:s29] =	ssyncadd.s32 $0xFFFFC180  }
0xa7: {  	[spmem:s2] =	stream.indirect.scatter.add.f32 [tilespmem:s23], [sflag:$0x4], $0x80, s0, s21, $0xb8;
	[tilespmem:$0x1E080] =	vst v63  }
0xa8: {  	_ =	swait.ge [sflag:s28], $0x3E80  }
0xa9: {  	[sflag:s28] =	ssyncset.done $0x0  }
0xaa: {  	[sflag:s28] =	ssyncadd.s32 $0xFFFFC180  }
0xab: {  	_ =	swait.ge [sflag:s30], $0x3E80  }
0xac: {  	[sflag:s30] =	ssyncset.done $0x0  }
0xad: {  	s6 =	sshll.u32 s3, $0x6;
	[sflag:s30] =	ssyncadd.s32 $0xFFFFC180  }
0xae: {  	s6 =	sor.u32 $0x1C01, s6;
	[bflag:$0x0] =	sbarrier.arrive $0xFFFF  }
0xaf: {  	[hbm:s14], [sflag:s6] =	dma.local [spmem:s24], $0x1900  }
0xb0: {  	s6 =	sshll.u32 @!p0 s3, $0x6  }
0xb1: {  	s6 =	sor.u32 @!p0 $0x1C02, s6  }
0xb2: {  	[hbm:s15], [sflag:s6] =	dma.local @!p0 [spmem:s25], $0x1900  }
0xb3: {  	s4 =	sadd.s32 $0x1, s4;
	s6 =	simm.s32 @!p0 $0x1  }
0xb4: {  	p1 =	sne.s32 s4, s16;
	_ =	swait.ge @!p0 [sflag:s6], $0x1900  }
.Ltmp3:
0xb5: {  	s7 =	simm.s32 @!p0 $0x2;
	[sflag:s6] =	ssyncset.done @!p0 $0x0;
	(pc) =	sbr.rel @p1 .LBB2_1-.Ltmp3, $4  }
0xb6: {  	s7 =	simm.s32 @p0 $0x1;
	[sflag:s6] =	ssyncadd.s32 @!p0 $0xFFFFE700  }
0xb7: {  	_ =	swait.ge [sflag:s7], $0x1900  }
0xb8: {  	[sflag:s7] =	ssyncset.done $0x0  }
0xb9: {  	[sflag:s7] =	ssyncadd.s32 $0xFFFFE700  }
0xba: {  	_ =	sfence.sel $0x180000  }
0xbb: {  	[bflag:$0x0] =	sbarrier.arrive $0xFFFF  }
0xbc: {  	_ =	strace $0x90000047  }
0xbd: {  	[bflag:$0x2] =	sbarrier.arrive $0xFFFF  }
0xbe: {  	p0 =	sne.s32 s3, $0x0;
	s0 =	rddreg [dreg:$0x3]  }
0xbf: {  	s0 =	sadd.s32 @!p0 $0x100000, s0  }
0xc0: {  	[sflag:s0] =	ssyncadd.tile.s32 @!p0 $0x1;
	_ =	shalt  }
.Lfunc_end2:
_tile_overlayer_lowered:
.L_overlay_start_2:
0xc1: {  	(tag) =	ssettag $0x2  }
0xc2: {  	s0 =	rddreg [dreg:$0x0];
	s2 =	stileid.u32  }
0xc3: {  	s1 =	rddreg [dreg:$0x1];
	p0 =	sne.s32 s2, $0x0  }
0xc4: {  	s3 =	rddreg [dreg:$0x2];
	[bflag:$0x3] =	sbarrier.arrive $0xFFFF;
	s2 =	simm.s32 @!p0 $0x1C05  }
0xc5: {  	[timem:s3], [sflag:s2] =	dma.local @!p0 [hbm:s0], s1  }
0xc6: {  	s0 =	simm.s32 @!p0 $0x5  }
0xc7: {  	_ =	swait.ge @!p0 [sflag:s0], s1  }
0xc8: {  	s1 =	ssub.s32 @!p0 $0x0, s1;
	[sflag:s0] =	ssyncset.done @!p0 $0x0  }
0xc9: {  	[sflag:s0] =	ssyncadd.s32 @!p0 s1  }
0xca: {  	[bflag:$0x3] =	sbarrier.arrive $0xFFFF  }
0xcb: {  	_ =	shalt  }

</sc_bundles>
